<compile_context>
chip_gen: v7x
topology: tpu7x:2x2x1
jax: 0.10.2.dev20260603
libtpu: 0.0.44.dev20260713+nightly
codegen_flags: <defaults>
</compile_context>

<pallas_src>
import functools

import jax
import jax.numpy as jnp
from jax import lax
from jax.experimental import pallas as pl
from jax.experimental.pallas import tpu as pltpu
from jax.experimental.pallas import tpu_sc as plsc

B = 4096
L = 200
NN = 20
KV = 32
MEM = 32

NC = 2
NS = 16
NW = NC * NS
BC = B // NW


def _make_sc_kernel():
    mesh = plsc.VectorSubcoreMesh(core_axis_name="c", subcore_axis_name="s")

    out_type = [
        jax.ShapeDtypeStruct((B, KV), jnp.float32),
        jax.ShapeDtypeStruct((B, KV), jnp.float32),
        jax.ShapeDtypeStruct((B, KV), jnp.float32),
        jax.ShapeDtypeStruct((B, KV), jnp.float32),
        jax.ShapeDtypeStruct((L, B, KV), jnp.float32),
        jax.ShapeDtypeStruct((L, B, KV), jnp.float32),
        jax.ShapeDtypeStruct((B, MEM), jnp.float32),
        jax.ShapeDtypeStruct((B, MEM), jnp.float32),
        jax.ShapeDtypeStruct((NN, B, MEM), jnp.float32),
        jax.ShapeDtypeStruct((NN, B, MEM), jnp.float32),
    ]

    @functools.partial(
        pl.kernel,
        mesh=mesh,
        out_type=out_type,
        compiler_params=pltpu.CompilerParams(use_tc_tiling_on_sc=False),
        scratch_types=[
            pltpu.VMEM((8, BC), jnp.int32),
            pltpu.VMEM((NN, BC), jnp.int32),
            pltpu.VMEM((L, BC), jnp.int32),
            pltpu.VMEM((L, BC), jnp.int32),
        ] + [pltpu.VMEM((BC, KV), jnp.float32)] * 8
          + [pltpu.SemaphoreType.DMA] * 9,
    )
    def sc_kernel(ua, ul, ii, ic, sid, sct, uid, nb,
                  t_age, t_lvl, t_item, t_cate, t_m0, t_m1,
                  o_ua, o_ub, o_ia, o_ib, o_sa, o_sb, o_u0, o_u1, o_n0, o_n1,
                  ism, inb, isid, isct,
                  r0, r1, r2, r3, r4, r5, r6, r7,
                  g0, g1, g2, g3, g4, g5, g6, g7, sw):
        wid = lax.axis_index("s") * NC + lax.axis_index("c")
        b0 = wid * BC

        pltpu.sync_copy(ua.at[pl.ds(b0, BC)], ism.at[0])
        pltpu.sync_copy(ul.at[pl.ds(b0, BC)], ism.at[1])
        pltpu.sync_copy(ii.at[pl.ds(b0, BC)], ism.at[2])
        pltpu.sync_copy(ic.at[pl.ds(b0, BC)], ism.at[3])
        pltpu.sync_copy(uid.at[pl.ds(b0, BC)], ism.at[4])
        pltpu.sync_copy(nb.at[:, pl.ds(b0, BC)], inb)
        pltpu.sync_copy(sid.at[:, pl.ds(b0, BC)], isid)
        pltpu.sync_copy(sct.at[:, pl.ds(b0, BC)], isct)

        bufs = (r0, r1, r2, r3, r4, r5, r6, r7)
        gsems = (g0, g1, g2, g3, g4, g5, g6, g7)

        def wave(jobs):
            gs = [pltpu.async_copy(tab.at[idx], bufs[j], gsems[j])
                  for j, (tab, idx, _dst) in enumerate(jobs)]
            ws = []
            for j, (_tab, _idx, dst) in enumerate(jobs):
                gs[j].wait()
                ws.append(pltpu.async_copy(bufs[j], dst, sw))
            for w in ws:
                w.wait()

        wave([
            (t_age, ism.at[0], o_ua.at[pl.ds(b0, BC)]),
            (t_lvl, ism.at[1], o_ub.at[pl.ds(b0, BC)]),
            (t_item, ism.at[2], o_ia.at[pl.ds(b0, BC)]),
            (t_cate, ism.at[3], o_ib.at[pl.ds(b0, BC)]),
            (t_m0, ism.at[4], o_u0.at[pl.ds(b0, BC)]),
            (t_m1, ism.at[4], o_u1.at[pl.ds(b0, BC)]),
        ])

        def nbody(k, carry):
            wave([(t_m0 if j % 2 == 0 else t_m1,
                   inb.at[4 * k + j // 2],
                   (o_n0 if j % 2 == 0 else o_n1)
                   .at[4 * k + j // 2].at[pl.ds(b0, BC)])
                  for j in range(8)])
            return carry
        lax.fori_loop(0, NN // 4, nbody, 0)

        def sbody(k, carry):
            wave([(t_item if j % 2 == 0 else t_cate,
                   (isid if j % 2 == 0 else isct).at[4 * k + j // 2],
                   (o_sa if j % 2 == 0 else o_sb)
                   .at[4 * k + j // 2].at[pl.ds(b0, BC)])
                  for j in range(8)])
            return carry
        lax.fori_loop(0, L // 4, sbody, 0)

    return sc_kernel


_SC_KERNEL = _make_sc_kernel()


def kernel(user_age, user_level, item_id, item_cate, item_id_seq,
           item_cate_seq, userid, neighbor_ids, W_user_age, W_user_level,
           W_item_id, W_item_cate, W_mem0, W_mem1):
    o_ua, o_ub, o_ia, o_ib, o_sa, o_sb, o_u0, o_u1, o_n0, o_n1 = _SC_KERNEL(
        user_age, user_level, item_id, item_cate,
        item_id_seq.T, item_cate_seq.T, userid, neighbor_ids.T,
        W_user_age, W_user_level, W_item_id, W_item_cate, W_mem0, W_mem1)
    seq = jnp.concatenate([o_sa, o_sb], axis=-1).transpose(1, 0, 2)
    return (jnp.concatenate([o_ua, o_ub], axis=-1),
            jnp.concatenate([o_ia, o_ib], axis=-1),
            seq, o_u0, o_u1,
            o_n0.transpose(1, 0, 2), o_n1.transpose(1, 0, 2))

# --- scband reference (transcript-rebuilt; emitter-appended) ---
"""Pipeline reference for scband-cigar-wo-cdgnn-89026082111523 (READ-ONLY COPY).

The authoritative reference and input builder live on the scoring server;
editing this copy changes nothing except your own understanding.
"""

import jax, jax.numpy as jnp
import numpy as np

B = 4096
L = 200
NN = 20
KV = 32
MEM = 32
V_USER = 1000000
V_AGE = 1000
V_LEVEL = 100
V_ITEM = 1000000
V_CATE = 10000


def setup_inputs(seed: int = 0) -> dict:
    key = jax.random.key(seed)
    ks = jax.random.split(key, 14)
    inp = {}
    inp["user_age"] = jax.random.randint(ks[0], (B,), 0, V_AGE, dtype=jnp.int32)
    inp["user_level"] = jax.random.randint(ks[1], (B,), 0, V_LEVEL, dtype=jnp.int32)
    inp["item_id"] = jax.random.randint(ks[2], (B,), 0, V_ITEM, dtype=jnp.int32)
    inp["item_cate"] = jax.random.randint(ks[3], (B,), 0, V_CATE, dtype=jnp.int32)
    inp["item_id_seq"] = jax.random.randint(ks[4], (B, L), 0, V_ITEM, dtype=jnp.int32)
    inp["item_cate_seq"] = jax.random.randint(ks[5], (B, L), 0, V_CATE, dtype=jnp.int32)
    inp["userid"] = jax.random.randint(ks[6], (B,), 0, V_USER, dtype=jnp.int32)
    inp["neighbor_ids"] = jax.random.randint(ks[7], (B, NN), 0, V_USER, dtype=jnp.int32)
    inp["W_user_age"] = jax.random.normal(ks[8], (V_AGE, KV), dtype=jnp.float32) * (KV ** -0.5)
    inp["W_user_level"] = jax.random.normal(ks[9], (V_LEVEL, KV), dtype=jnp.float32) * (KV ** -0.5)
    inp["W_item_id"] = jax.random.normal(ks[10], (V_ITEM, KV), dtype=jnp.float32) * (KV ** -0.5)
    inp["W_item_cate"] = jax.random.normal(ks[11], (V_CATE, KV), dtype=jnp.float32) * (KV ** -0.5)
    inp["W_mem0"] = jax.random.normal(ks[12], (V_USER, MEM), dtype=jnp.float32) * (MEM ** -0.5)
    inp["W_mem1"] = jax.random.normal(ks[13], (V_USER, MEM), dtype=jnp.float32) * (MEM ** -0.5)
    return inp


def reference(user_age, user_level, item_id, item_cate, item_id_seq, item_cate_seq, userid, neighbor_ids, W_user_age, W_user_level, W_item_id, W_item_cate, W_mem0, W_mem1):
    # user_emb: concat of per-user-feature embedding lookups
    user_emb = jnp.concatenate([jnp.take(W_user_age, user_age, axis=0),
                                jnp.take(W_user_level, user_level, axis=0)], axis=-1)
    # item_emb: concat of per-item-feature lookups
    item_emb = jnp.concatenate([jnp.take(W_item_id, item_id, axis=0),
                                jnp.take(W_item_cate, item_cate, axis=0)], axis=-1)
    # seq_emb: history lookups with the SAME item tables
    seq_emb = jnp.concatenate([jnp.take(W_item_id, item_id_seq, axis=0),
                               jnp.take(W_item_cate, item_cate_seq, axis=0)], axis=-1)
    # CIGAR user memory lookups (frozen tables, 2 GNN layers)
    u0 = jnp.take(W_mem0, userid, axis=0)
    u1 = jnp.take(W_mem1, userid, axis=0)
    n0 = jnp.take(W_mem0, neighbor_ids, axis=0)
    n1 = jnp.take(W_mem1, neighbor_ids, axis=0)
    return (user_emb, item_emb, seq_emb, u0, u1, n0, n1)

if __name__ == "__main__":
    import jax
    _d = setup_inputs()
    print(jax.jit(kernel)(*tuple(_d.values())))

</pallas_src>

<mosaic_0001>
#map = affine_map<(d0, d1) -> (0)>
#map1 = affine_map<(d0, d1) -> (0, 0)>
#map2 = affine_map<(d0, d1) -> (0, 0, 0)>
module attributes {stable_mosaic.version = 14 : i64} {
  func.func @sc_kernel(%arg0: i32, %arg1: i32, %arg2: memref<4096xi32, #tpu.memory_space<hbm>>, %arg3: memref<4096xi32, #tpu.memory_space<hbm>>, %arg4: memref<4096xi32, #tpu.memory_space<hbm>>, %arg5: memref<4096xi32, #tpu.memory_space<hbm>>, %arg6: memref<200x4096xi32, #tpu.memory_space<hbm>>, %arg7: memref<200x4096xi32, #tpu.memory_space<hbm>>, %arg8: memref<4096xi32, #tpu.memory_space<hbm>>, %arg9: memref<20x4096xi32, #tpu.memory_space<hbm>>, %arg10: memref<1000x32xf32, #tpu.memory_space<hbm>>, %arg11: memref<100x32xf32, #tpu.memory_space<hbm>>, %arg12: memref<1000000x32xf32, #tpu.memory_space<hbm>>, %arg13: memref<10000x32xf32, #tpu.memory_space<hbm>>, %arg14: memref<1000000x32xf32, #tpu.memory_space<hbm>>, %arg15: memref<1000000x32xf32, #tpu.memory_space<hbm>>, %arg16: memref<4096x32xf32, #tpu.memory_space<hbm>>, %arg17: memref<4096x32xf32, #tpu.memory_space<hbm>>, %arg18: memref<4096x32xf32, #tpu.memory_space<hbm>>, %arg19: memref<4096x32xf32, #tpu.memory_space<hbm>>, %arg20: memref<200x4096x32xf32, #tpu.memory_space<hbm>>, %arg21: memref<200x4096x32xf32, #tpu.memory_space<hbm>>, %arg22: memref<4096x32xf32, #tpu.memory_space<hbm>>, %arg23: memref<4096x32xf32, #tpu.memory_space<hbm>>, %arg24: memref<20x4096x32xf32, #tpu.memory_space<hbm>>, %arg25: memref<20x4096x32xf32, #tpu.memory_space<hbm>>, %arg26: memref<8x128xi32, #tpu.memory_space<vmem>>, %arg27: memref<20x128xi32, #tpu.memory_space<vmem>>, %arg28: memref<200x128xi32, #tpu.memory_space<vmem>>, %arg29: memref<200x128xi32, #tpu.memory_space<vmem>>, %arg30: memref<128x32xf32, #tpu.memory_space<vmem>>, %arg31: memref<128x32xf32, #tpu.memory_space<vmem>>, %arg32: memref<128x32xf32, #tpu.memory_space<vmem>>, %arg33: memref<128x32xf32, #tpu.memory_space<vmem>>, %arg34: memref<128x32xf32, #tpu.memory_space<vmem>>, %arg35: memref<128x32xf32, #tpu.memory_space<vmem>>, %arg36: memref<128x32xf32, #tpu.memory_space<vmem>>, %arg37: memref<128x32xf32, #tpu.memory_space<vmem>>, %arg38: memref<!tpu.dma_semaphore, #tpu.memory_space<semaphore_mem>>, %arg39: memref<!tpu.dma_semaphore, #tpu.memory_space<semaphore_mem>>, %arg40: memref<!tpu.dma_semaphore, #tpu.memory_space<semaphore_mem>>, %arg41: memref<!tpu.dma_semaphore, #tpu.memory_space<semaphore_mem>>, %arg42: memref<!tpu.dma_semaphore, #tpu.memory_space<semaphore_mem>>, %arg43: memref<!tpu.dma_semaphore, #tpu.memory_space<semaphore_mem>>, %arg44: memref<!tpu.dma_semaphore, #tpu.memory_space<semaphore_mem>>, %arg45: memref<!tpu.dma_semaphore, #tpu.memory_space<semaphore_mem>>, %arg46: memref<!tpu.dma_semaphore, #tpu.memory_space<semaphore_mem>>) attributes {dimension_semantics = [#tpu.dimension_semantics<core_parallel>, #tpu.dimension_semantics<subcore_parallel>], iteration_bounds = array<i64: 2, 16>, scalar_prefetch = 0 : i64, scratch_operands = 21 : i64, tpu.core_type = #tpu.core_type<sc_vector_subcore>, window_params = [{transform_indices = #map}, {transform_indices = #map}, {transform_indices = #map}, {transform_indices = #map}, {transform_indices = #map1}, {transform_indices = #map1}, {transform_indices = #map}, {transform_indices = #map1}, {transform_indices = #map1}, {transform_indices = #map1}, {transform_indices = #map1}, {transform_indices = #map1}, {transform_indices = #map1}, {transform_indices = #map1}, {transform_indices = #map1}, {transform_indices = #map1}, {transform_indices = #map1}, {transform_indices = #map1}, {transform_indices = #map2}, {transform_indices = #map2}, {transform_indices = #map1}, {transform_indices = #map1}, {transform_indices = #map2}, {transform_indices = #map2}]} {
    %mul3A = arith.constant 2 : i32
    %mul3A_0 = arith.muli %arg1, %mul3A : i32
    %add3A = arith.addi %mul3A_0, %arg0 : i32
    %mul3A_1 = arith.constant 128 : i32
    %mul3A_2 = arith.muli %add3A, %mul3A_1 : i32
    %run_scoped3A = arith.constant 0 : i32
    "tpu.region"() ({
      %run_scoped3A_148 = tpu.sem_alloc : memref<!tpu.dma_semaphore, #tpu.memory_space<semaphore_mem>>
      %dma_start3A_149 = arith.constant 0 : i32
      %dma_start3A_150 = tpu.memref_slice %arg26[%run_scoped3A, %dma_start3A_149] : memref<8x128xi32, #tpu.memory_space<vmem>> -> memref<1x128xi32, #tpu.memory_space<vmem>>
      %dma_start3A_151 = tpu.memref_squeeze %dma_start3A_150 : memref<1x128xi32, #tpu.memory_space<vmem>> -> memref<128xi32, #tpu.memory_space<vmem>>
      %dma_start3A_152 = tpu.memref_slice %arg2[%mul3A_2] : memref<4096xi32, #tpu.memory_space<hbm>> -> memref<128xi32, #tpu.memory_space<hbm>>
      %dma_start3A_153 = arith.constant 0 : i32
      %dma_start3A_154 = tpu.memref_slice %arg26[%run_scoped3A, %dma_start3A_153] : memref<8x128xi32, #tpu.memory_space<vmem>> -> memref<1x128xi32, #tpu.memory_space<vmem>>
      %dma_start3A_155 = tpu.memref_squeeze %dma_start3A_154 : memref<1x128xi32, #tpu.memory_space<vmem>> -> memref<128xi32, #tpu.memory_space<vmem>>
      %dma_start3A_156 = tpu.memref_slice %arg2[%mul3A_2] : memref<4096xi32, #tpu.memory_space<hbm>> -> memref<128xi32, #tpu.memory_space<hbm>>
      tpu.enqueue_dma source(%dma_start3A_156 : memref<128xi32, #tpu.memory_space<hbm>>) target(%dma_start3A_155 : memref<128xi32, #tpu.memory_space<vmem>>) target_semaphore(%run_scoped3A_148 : memref<!tpu.dma_semaphore, #tpu.memory_space<semaphore_mem>>)
      %dma_wait3A_157 = arith.constant 0 : i32
      %dma_wait3A_158 = tpu.memref_slice %arg26[%run_scoped3A, %dma_wait3A_157] : memref<8x128xi32, #tpu.memory_space<vmem>> -> memref<1x128xi32, #tpu.memory_space<vmem>>
      %dma_wait3A_159 = tpu.memref_squeeze %dma_wait3A_158 : memref<1x128xi32, #tpu.memory_space<vmem>> -> memref<128xi32, #tpu.memory_space<vmem>>
      %dma_wait3A_160 = tpu.memref_slice %arg2[%mul3A_2] : memref<4096xi32, #tpu.memory_space<hbm>> -> memref<128xi32, #tpu.memory_space<hbm>>
      %dma_wait3A_161 = arith.constant 0 : i32
      %dma_wait3A_162 = tpu.memref_slice %arg26[%run_scoped3A, %dma_wait3A_161] : memref<8x128xi32, #tpu.memory_space<vmem>> -> memref<1x128xi32, #tpu.memory_space<vmem>>
      %dma_wait3A_163 = tpu.memref_squeeze %dma_wait3A_162 : memref<1x128xi32, #tpu.memory_space<vmem>> -> memref<128xi32, #tpu.memory_space<vmem>>
      %dma_wait3A_164 = tpu.memref_slice %arg2[%mul3A_2] : memref<4096xi32, #tpu.memory_space<hbm>> -> memref<128xi32, #tpu.memory_space<hbm>>
      tpu.wait_dma2 semaphore(%run_scoped3A_148 : memref<!tpu.dma_semaphore, #tpu.memory_space<semaphore_mem>>) src(%dma_wait3A_164 : memref<128xi32, #tpu.memory_space<hbm>>) dst(%dma_wait3A_163 : memref<128xi32, #tpu.memory_space<vmem>>)
      tpu.yield
    }) : () -> ()
    %run_scoped3A_3 = arith.constant 1 : i32
    "tpu.region"() ({
      %run_scoped3A_148 = tpu.sem_alloc : memref<!tpu.dma_semaphore, #tpu.memory_space<semaphore_mem>>
      %dma_start3A_149 = arith.constant 0 : i32
      %dma_start3A_150 = tpu.memref_slice %arg26[%run_scoped3A_3, %dma_start3A_149] : memref<8x128xi32, #tpu.memory_space<vmem>> -> memref<1x128xi32, #tpu.memory_space<vmem>>
      %dma_start3A_151 = tpu.memref_squeeze %dma_start3A_150 : memref<1x128xi32, #tpu.memory_space<vmem>> -> memref<128xi32, #tpu.memory_space<vmem>>
      %dma_start3A_152 = tpu.memref_slice %arg3[%mul3A_2] : memref<4096xi32, #tpu.memory_space<hbm>> -> memref<128xi32, #tpu.memory_space<hbm>>
      %dma_start3A_153 = arith.constant 0 : i32
      %dma_start3A_154 = tpu.memref_slice %arg26[%run_scoped3A_3, %dma_start3A_153] : memref<8x128xi32, #tpu.memory_space<vmem>> -> memref<1x128xi32, #tpu.memory_space<vmem>>
      %dma_start3A_155 = tpu.memref_squeeze %dma_start3A_154 : memref<1x128xi32, #tpu.memory_space<vmem>> -> memref<128xi32, #tpu.memory_space<vmem>>
      %dma_start3A_156 = tpu.memref_slice %arg3[%mul3A_2] : memref<4096xi32, #tpu.memory_space<hbm>> -> memref<128xi32, #tpu.memory_space<hbm>>
      tpu.enqueue_dma source(%dma_start3A_156 : memref<128xi32, #tpu.memory_space<hbm>>) target(%dma_start3A_155 : memref<128xi32, #tpu.memory_space<vmem>>) target_semaphore(%run_scoped3A_148 : memref<!tpu.dma_semaphore, #tpu.memory_space<semaphore_mem>>)
      %dma_wait3A_157 = arith.constant 0 : i32
      %dma_wait3A_158 = tpu.memref_slice %arg26[%run_scoped3A_3, %dma_wait3A_157] : memref<8x128xi32, #tpu.memory_space<vmem>> -> memref<1x128xi32, #tpu.memory_space<vmem>>
      %dma_wait3A_159 = tpu.memref_squeeze %dma_wait3A_158 : memref<1x128xi32, #tpu.memory_space<vmem>> -> memref<128xi32, #tpu.memory_space<vmem>>
      %dma_wait3A_160 = tpu.memref_slice %arg3[%mul3A_2] : memref<4096xi32, #tpu.memory_space<hbm>> -> memref<128xi32, #tpu.memory_space<hbm>>
      %dma_wait3A_161 = arith.constant 0 : i32
      %dma_wait3A_162 = tpu.memref_slice %arg26[%run_scoped3A_3, %dma_wait3A_161] : memref<8x128xi32, #tpu.memory_space<vmem>> -> memref<1x128xi32, #tpu.memory_space<vmem>>
      %dma_wait3A_163 = tpu.memref_squeeze %dma_wait3A_162 : memref<1x128xi32, #tpu.memory_space<vmem>> -> memref<128xi32, #tpu.memory_space<vmem>>
      %dma_wait3A_164 = tpu.memref_slice %arg3[%mul3A_2] : memref<4096xi32, #tpu.memory_space<hbm>> -> memref<128xi32, #tpu.memory_space<hbm>>
      tpu.wait_dma2 semaphore(%run_scoped3A_148 : memref<!tpu.dma_semaphore, #tpu.memory_space<semaphore_mem>>) src(%dma_wait3A_164 : memref<128xi32, #tpu.memory_space<hbm>>) dst(%dma_wait3A_163 : memref<128xi32, #tpu.memory_space<vmem>>)
      tpu.yield
    }) : () -> ()
    %run_scoped3A_4 = arith.constant 2 : i32
    "tpu.region"() ({
      %run_scoped3A_148 = tpu.sem_alloc : memref<!tpu.dma_semaphore, #tpu.memory_space<semaphore_mem>>
      %dma_start3A_149 = arith.constant 0 : i32
      %dma_start3A_150 = tpu.memref_slice %arg26[%run_scoped3A_4, %dma_start3A_149] : memref<8x128xi32, #tpu.memory_space<vmem>> -> memref<1x128xi32, #tpu.memory_space<vmem>>
      %dma_start3A_151 = tpu.memref_squeeze %dma_start3A_150 : memref<1x128xi32, #tpu.memory_space<vmem>> -> memref<128xi32, #tpu.memory_space<vmem>>
      %dma_start3A_152 = tpu.memref_slice %arg4[%mul3A_2] : memref<4096xi32, #tpu.memory_space<hbm>> -> memref<128xi32, #tpu.memory_space<hbm>>
      %dma_start3A_153 = arith.constant 0 : i32
      %dma_start3A_154 = tpu.memref_slice %arg26[%run_scoped3A_4, %dma_start3A_153] : memref<8x128xi32, #tpu.memory_space<vmem>> -> memref<1x128xi32, #tpu.memory_space<vmem>>
      %dma_start3A_155 = tpu.memref_squeeze %dma_start3A_154 : memref<1x128xi32, #tpu.memory_space<vmem>> -> memref<128xi32, #tpu.memory_space<vmem>>
      %dma_start3A_156 = tpu.memref_slice %arg4[%mul3A_2] : memref<4096xi32, #tpu.memory_space<hbm>> -> memref<128xi32, #tpu.memory_space<hbm>>
      tpu.enqueue_dma source(%dma_start3A_156 : memref<128xi32, #tpu.memory_space<hbm>>) target(%dma_start3A_155 : memref<128xi32, #tpu.memory_space<vmem>>) target_semaphore(%run_scoped3A_148 : memref<!tpu.dma_semaphore, #tpu.memory_space<semaphore_mem>>)
      %dma_wait3A_157 = arith.constant 0 : i32
      %dma_wait3A_158 = tpu.memref_slice %arg26[%run_scoped3A_4, %dma_wait3A_157] : memref<8x128xi32, #tpu.memory_space<vmem>> -> memref<1x128xi32, #tpu.memory_space<vmem>>
      %dma_wait3A_159 = tpu.memref_squeeze %dma_wait3A_158 : memref<1x128xi32, #tpu.memory_space<vmem>> -> memref<128xi32, #tpu.memory_space<vmem>>
      %dma_wait3A_160 = tpu.memref_slice %arg4[%mul3A_2] : memref<4096xi32, #tpu.memory_space<hbm>> -> memref<128xi32, #tpu.memory_space<hbm>>
      %dma_wait3A_161 = arith.constant 0 : i32
      %dma_wait3A_162 = tpu.memref_slice %arg26[%run_scoped3A_4, %dma_wait3A_161] : memref<8x128xi32, #tpu.memory_space<vmem>> -> memref<1x128xi32, #tpu.memory_space<vmem>>
      %dma_wait3A_163 = tpu.memref_squeeze %dma_wait3A_162 : memref<1x128xi32, #tpu.memory_space<vmem>> -> memref<128xi32, #tpu.memory_space<vmem>>
      %dma_wait3A_164 = tpu.memref_slice %arg4[%mul3A_2] : memref<4096xi32, #tpu.memory_space<hbm>> -> memref<128xi32, #tpu.memory_space<hbm>>
      tpu.wait_dma2 semaphore(%run_scoped3A_148 : memref<!tpu.dma_semaphore, #tpu.memory_space<semaphore_mem>>) src(%dma_wait3A_164 : memref<128xi32, #tpu.memory_space<hbm>>) dst(%dma_wait3A_163 : memref<128xi32, #tpu.memory_space<vmem>>)
      tpu.yield
    }) : () -> ()
    %run_scoped3A_5 = arith.constant 3 : i32
    "tpu.region"() ({
      %run_scoped3A_148 = tpu.sem_alloc : memref<!tpu.dma_semaphore, #tpu.memory_space<semaphore_mem>>
      %dma_start3A_149 = arith.constant 0 : i32
      %dma_start3A_150 = tpu.memref_slice %arg26[%run_scoped3A_5, %dma_start3A_149] : memref<8x128xi32, #tpu.memory_space<vmem>> -> memref<1x128xi32, #tpu.memory_space<vmem>>
      %dma_start3A_151 = tpu.memref_squeeze %dma_start3A_150 : memref<1x128xi32, #tpu.memory_space<vmem>> -> memref<128xi32, #tpu.memory_space<vmem>>
      %dma_start3A_152 = tpu.memref_slice %arg5[%mul3A_2] : memref<4096xi32, #tpu.memory_space<hbm>> -> memref<128xi32, #tpu.memory_space<hbm>>
      %dma_start3A_153 = arith.constant 0 : i32
      %dma_start3A_154 = tpu.memref_slice %arg26[%run_scoped3A_5, %dma_start3A_153] : memref<8x128xi32, #tpu.memory_space<vmem>> -> memref<1x128xi32, #tpu.memory_space<vmem>>
      %dma_start3A_155 = tpu.memref_squeeze %dma_start3A_154 : memref<1x128xi32, #tpu.memory_space<vmem>> -> memref<128xi32, #tpu.memory_space<vmem>>
      %dma_start3A_156 = tpu.memref_slice %arg5[%mul3A_2] : memref<4096xi32, #tpu.memory_space<hbm>> -> memref<128xi32, #tpu.memory_space<hbm>>
      tpu.enqueue_dma source(%dma_start3A_156 : memref<128xi32, #tpu.memory_space<hbm>>) target(%dma_start3A_155 : memref<128xi32, #tpu.memory_space<vmem>>) target_semaphore(%run_scoped3A_148 : memref<!tpu.dma_semaphore, #tpu.memory_space<semaphore_mem>>)
      %dma_wait3A_157 = arith.constant 0 : i32
      %dma_wait3A_158 = tpu.memref_slice %arg26[%run_scoped3A_5, %dma_wait3A_157] : memref<8x128xi32, #tpu.memory_space<vmem>> -> memref<1x128xi32, #tpu.memory_space<vmem>>
      %dma_wait3A_159 = tpu.memref_squeeze %dma_wait3A_158 : memref<1x128xi32, #tpu.memory_space<vmem>> -> memref<128xi32, #tpu.memory_space<vmem>>
      %dma_wait3A_160 = tpu.memref_slice %arg5[%mul3A_2] : memref<4096xi32, #tpu.memory_space<hbm>> -> memref<128xi32, #tpu.memory_space<hbm>>
      %dma_wait3A_161 = arith.constant 0 : i32
      %dma_wait3A_162 = tpu.memref_slice %arg26[%run_scoped3A_5, %dma_wait3A_161] : memref<8x128xi32, #tpu.memory_space<vmem>> -> memref<1x128xi32, #tpu.memory_space<vmem>>
      %dma_wait3A_163 = tpu.memref_squeeze %dma_wait3A_162 : memref<1x128xi32, #tpu.memory_space<vmem>> -> memref<128xi32, #tpu.memory_space<vmem>>
      %dma_wait3A_164 = tpu.memref_slice %arg5[%mul3A_2] : memref<4096xi32, #tpu.memory_space<hbm>> -> memref<128xi32, #tpu.memory_space<hbm>>
      tpu.wait_dma2 semaphore(%run_scoped3A_148 : memref<!tpu.dma_semaphore, #tpu.memory_space<semaphore_mem>>) src(%dma_wait3A_164 : memref<128xi32, #tpu.memory_space<hbm>>) dst(%dma_wait3A_163 : memref<128xi32, #tpu.memory_space<vmem>>)
      tpu.yield
    }) : () -> ()
    %run_scoped3A_6 = arith.constant 4 : i32
    "tpu.region"() ({
      %run_scoped3A_148 = tpu.sem_alloc : memref<!tpu.dma_semaphore, #tpu.memory_space<semaphore_mem>>
      %dma_start3A_149 = arith.constant 0 : i32
      %dma_start3A_150 = tpu.memref_slice %arg26[%run_scoped3A_6, %dma_start3A_149] : memref<8x128xi32, #tpu.memory_space<vmem>> -> memref<1x128xi32, #tpu.memory_space<vmem>>
      %dma_start3A_151 = tpu.memref_squeeze %dma_start3A_150 : memref<1x128xi32, #tpu.memory_space<vmem>> -> memref<128xi32, #tpu.memory_space<vmem>>
      %dma_start3A_152 = tpu.memref_slice %arg8[%mul3A_2] : memref<4096xi32, #tpu.memory_space<hbm>> -> memref<128xi32, #tpu.memory_space<hbm>>
      %dma_start3A_153 = arith.constant 0 : i32
      %dma_start3A_154 = tpu.memref_slice %arg26[%run_scoped3A_6, %dma_start3A_153] : memref<8x128xi32, #tpu.memory_space<vmem>> -> memref<1x128xi32, #tpu.memory_space<vmem>>
      %dma_start3A_155 = tpu.memref_squeeze %dma_start3A_154 : memref<1x128xi32, #tpu.memory_space<vmem>> -> memref<128xi32, #tpu.memory_space<vmem>>
      %dma_start3A_156 = tpu.memref_slice %arg8[%mul3A_2] : memref<4096xi32, #tpu.memory_space<hbm>> -> memref<128xi32, #tpu.memory_space<hbm>>
      tpu.enqueue_dma source(%dma_start3A_156 : memref<128xi32, #tpu.memory_space<hbm>>) target(%dma_start3A_155 : memref<128xi32, #tpu.memory_space<vmem>>) target_semaphore(%run_scoped3A_148 : memref<!tpu.dma_semaphore, #tpu.memory_space<semaphore_mem>>)
      %dma_wait3A_157 = arith.constant 0 : i32
      %dma_wait3A_158 = tpu.memref_slice %arg26[%run_scoped3A_6, %dma_wait3A_157] : memref<8x128xi32, #tpu.memory_space<vmem>> -> memref<1x128xi32, #tpu.memory_space<vmem>>
      %dma_wait3A_159 = tpu.memref_squeeze %dma_wait3A_158 : memref<1x128xi32, #tpu.memory_space<vmem>> -> memref<128xi32, #tpu.memory_space<vmem>>
      %dma_wait3A_160 = tpu.memref_slice %arg8[%mul3A_2] : memref<4096xi32, #tpu.memory_space<hbm>> -> memref<128xi32, #tpu.memory_space<hbm>>
      %dma_wait3A_161 = arith.constant 0 : i32
      %dma_wait3A_162 = tpu.memref_slice %arg26[%run_scoped3A_6, %dma_wait3A_161] : memref<8x128xi32, #tpu.memory_space<vmem>> -> memref<1x128xi32, #tpu.memory_space<vmem>>
      %dma_wait3A_163 = tpu.memref_squeeze %dma_wait3A_162 : memref<1x128xi32, #tpu.memory_space<vmem>> -> memref<128xi32, #tpu.memory_space<vmem>>
      %dma_wait3A_164 = tpu.memref_slice %arg8[%mul3A_2] : memref<4096xi32, #tpu.memory_space<hbm>> -> memref<128xi32, #tpu.memory_space<hbm>>
      tpu.wait_dma2 semaphore(%run_scoped3A_148 : memref<!tpu.dma_semaphore, #tpu.memory_space<semaphore_mem>>) src(%dma_wait3A_164 : memref<128xi32, #tpu.memory_space<hbm>>) dst(%dma_wait3A_163 : memref<128xi32, #tpu.memory_space<vmem>>)
      tpu.yield
    }) : () -> ()
    "tpu.region"() ({
      %run_scoped3A_148 = tpu.sem_alloc : memref<!tpu.dma_semaphore, #tpu.memory_space<semaphore_mem>>
      %dma_start3A_149 = arith.constant 0 : i32
      %dma_start3A_150 = tpu.memref_slice %arg9[%dma_start3A_149, %mul3A_2] : memref<20x4096xi32, #tpu.memory_space<hbm>> -> memref<20x128xi32, #tpu.memory_space<hbm>>
      %dma_start3A_151 = arith.constant 0 : i32
      %dma_start3A_152 = tpu.memref_slice %arg9[%dma_start3A_151, %mul3A_2] : memref<20x4096xi32, #tpu.memory_space<hbm>> -> memref<20x128xi32, #tpu.memory_space<hbm>>
      tpu.enqueue_dma source(%dma_start3A_152 : memref<20x128xi32, #tpu.memory_space<hbm>>) target(%arg27 : memref<20x128xi32, #tpu.memory_space<vmem>>) target_semaphore(%run_scoped3A_148 : memref<!tpu.dma_semaphore, #tpu.memory_space<semaphore_mem>>)
      %dma_wait3A_153 = arith.constant 0 : i32
      %dma_wait3A_154 = tpu.memref_slice %arg9[%dma_wait3A_153, %mul3A_2] : memref<20x4096xi32, #tpu.memory_space<hbm>> -> memref<20x128xi32, #tpu.memory_space<hbm>>
      %dma_wait3A_155 = arith.constant 0 : i32
      %dma_wait3A_156 = tpu.memref_slice %arg9[%dma_wait3A_155, %mul3A_2] : memref<20x4096xi32, #tpu.memory_space<hbm>> -> memref<20x128xi32, #tpu.memory_space<hbm>>
      tpu.wait_dma2 semaphore(%run_scoped3A_148 : memref<!tpu.dma_semaphore, #tpu.memory_space<semaphore_mem>>) src(%dma_wait3A_156 : memref<20x128xi32, #tpu.memory_space<hbm>>) dst(%arg27 : memref<20x128xi32, #tpu.memory_space<vmem>>)
      tpu.yield
    }) : () -> ()
    "tpu.region"() ({
      %run_scoped3A_148 = tpu.sem_alloc : memref<!tpu.dma_semaphore, #tpu.memory_space<semaphore_mem>>
      %dma_start3A_149 = arith.constant 0 : i32
      %dma_start3A_150 = tpu.memref_slice %arg6[%dma_start3A_149, %mul3A_2] : memref<200x4096xi32, #tpu.memory_space<hbm>> -> memref<200x128xi32, #tpu.memory_space<hbm>>
      %dma_start3A_151 = arith.constant 0 : i32
      %dma_start3A_152 = tpu.memref_slice %arg6[%dma_start3A_151, %mul3A_2] : memref<200x4096xi32, #tpu.memory_space<hbm>> -> memref<200x128xi32, #tpu.memory_space<hbm>>
      tpu.enqueue_dma source(%dma_start3A_152 : memref<200x128xi32, #tpu.memory_space<hbm>>) target(%arg28 : memref<200x128xi32, #tpu.memory_space<vmem>>) target_semaphore(%run_scoped3A_148 : memref<!tpu.dma_semaphore, #tpu.memory_space<semaphore_mem>>)
      %dma_wait3A_153 = arith.constant 0 : i32
      %dma_wait3A_154 = tpu.memref_slice %arg6[%dma_wait3A_153, %mul3A_2] : memref<200x4096xi32, #tpu.memory_space<hbm>> -> memref<200x128xi32, #tpu.memory_space<hbm>>
      %dma_wait3A_155 = arith.constant 0 : i32
      %dma_wait3A_156 = tpu.memref_slice %arg6[%dma_wait3A_155, %mul3A_2] : memref<200x4096xi32, #tpu.memory_space<hbm>> -> memref<200x128xi32, #tpu.memory_space<hbm>>
      tpu.wait_dma2 semaphore(%run_scoped3A_148 : memref<!tpu.dma_semaphore, #tpu.memory_space<semaphore_mem>>) src(%dma_wait3A_156 : memref<200x128xi32, #tpu.memory_space<hbm>>) dst(%arg28 : memref<200x128xi32, #tpu.memory_space<vmem>>)
      tpu.yield
    }) : () -> ()
    "tpu.region"() ({
      %run_scoped3A_148 = tpu.sem_alloc : memref<!tpu.dma_semaphore, #tpu.memory_space<semaphore_mem>>
      %dma_start3A_149 = arith.constant 0 : i32
      %dma_start3A_150 = tpu.memref_slice %arg7[%dma_start3A_149, %mul3A_2] : memref<200x4096xi32, #tpu.memory_space<hbm>> -> memref<200x128xi32, #tpu.memory_space<hbm>>
      %dma_start3A_151 = arith.constant 0 : i32
      %dma_start3A_152 = tpu.memref_slice %arg7[%dma_start3A_151, %mul3A_2] : memref<200x4096xi32, #tpu.memory_space<hbm>> -> memref<200x128xi32, #tpu.memory_space<hbm>>
      tpu.enqueue_dma source(%dma_start3A_152 : memref<200x128xi32, #tpu.memory_space<hbm>>) target(%arg29 : memref<200x128xi32, #tpu.memory_space<vmem>>) target_semaphore(%run_scoped3A_148 : memref<!tpu.dma_semaphore, #tpu.memory_space<semaphore_mem>>)
      %dma_wait3A_153 = arith.constant 0 : i32
      %dma_wait3A_154 = tpu.memref_slice %arg7[%dma_wait3A_153, %mul3A_2] : memref<200x4096xi32, #tpu.memory_space<hbm>> -> memref<200x128xi32, #tpu.memory_space<hbm>>
      %dma_wait3A_155 = arith.constant 0 : i32
      %dma_wait3A_156 = tpu.memref_slice %arg7[%dma_wait3A_155, %mul3A_2] : memref<200x4096xi32, #tpu.memory_space<hbm>> -> memref<200x128xi32, #tpu.memory_space<hbm>>
      tpu.wait_dma2 semaphore(%run_scoped3A_148 : memref<!tpu.dma_semaphore, #tpu.memory_space<semaphore_mem>>) src(%dma_wait3A_156 : memref<200x128xi32, #tpu.memory_space<hbm>>) dst(%arg29 : memref<200x128xi32, #tpu.memory_space<vmem>>)
      tpu.yield
    }) : () -> ()
    %dma_start3A = arith.constant 0 : i32
    %dma_start3A_7 = arith.constant 0 : i32
    %dma_start3A_8 = tpu.memref_slice %arg26[%dma_start3A, %dma_start3A_7] : memref<8x128xi32, #tpu.memory_space<vmem>> -> memref<1x128xi32, #tpu.memory_space<vmem>>
    %dma_start3A_9 = tpu.memref_squeeze %dma_start3A_8 : memref<1x128xi32, #tpu.memory_space<vmem>> -> memref<128xi32, #tpu.memory_space<vmem>>
    %dma_start3A_10 = arith.constant 0 : i32
    %dma_start3A_11 = arith.constant 0 : i32
    %dma_start3A_12 = tpu.memref_slice %arg10[%dma_start3A_10, %dma_start3A_11] : memref<1000x32xf32, #tpu.memory_space<hbm>> -> memref<1000x32xf32, #tpu.memory_space<hbm>>
    tpu.enqueue_indirect_dma source(%dma_start3A_12 : memref<1000x32xf32, #tpu.memory_space<hbm>>) target(%arg30 : memref<128x32xf32, #tpu.memory_space<vmem>>) offsets(%dma_start3A_9 : memref<128xi32, #tpu.memory_space<vmem>>) semaphore(%arg38 : memref<!tpu.dma_semaphore, #tpu.memory_space<semaphore_mem>>)
    %dma_start3A_13 = arith.constant 1 : i32
    %dma_start3A_14 = arith.constant 0 : i32
    %dma_start3A_15 = tpu.memref_slice %arg26[%dma_start3A_13, %dma_start3A_14] : memref<8x128xi32, #tpu.memory_space<vmem>> -> memref<1x128xi32, #tpu.memory_space<vmem>>
    %dma_start3A_16 = tpu.memref_squeeze %dma_start3A_15 : memref<1x128xi32, #tpu.memory_space<vmem>> -> memref<128xi32, #tpu.memory_space<vmem>>
    %dma_start3A_17 = arith.constant 0 : i32
    %dma_start3A_18 = arith.constant 0 : i32
    %dma_start3A_19 = tpu.memref_slice %arg11[%dma_start3A_17, %dma_start3A_18] : memref<100x32xf32, #tpu.memory_space<hbm>> -> memref<100x32xf32, #tpu.memory_space<hbm>>
    tpu.enqueue_indirect_dma source(%dma_start3A_19 : memref<100x32xf32, #tpu.memory_space<hbm>>) target(%arg31 : memref<128x32xf32, #tpu.memory_space<vmem>>) offsets(%dma_start3A_16 : memref<128xi32, #tpu.memory_space<vmem>>) semaphore(%arg39 : memref<!tpu.dma_semaphore, #tpu.memory_space<semaphore_mem>>)
    %dma_start3A_20 = arith.constant 2 : i32
    %dma_start3A_21 = arith.constant 0 : i32
    %dma_start3A_22 = tpu.memref_slice %arg26[%dma_start3A_20, %dma_start3A_21] : memref<8x128xi32, #tpu.memory_space<vmem>> -> memref<1x128xi32, #tpu.memory_space<vmem>>
    %dma_start3A_23 = tpu.memref_squeeze %dma_start3A_22 : memref<1x128xi32, #tpu.memory_space<vmem>> -> memref<128xi32, #tpu.memory_space<vmem>>
    %dma_start3A_24 = arith.constant 0 : i32
    %dma_start3A_25 = arith.constant 0 : i32
    %dma_start3A_26 = tpu.memref_slice %arg12[%dma_start3A_24, %dma_start3A_25] : memref<1000000x32xf32, #tpu.memory_space<hbm>> -> memref<1000000x32xf32, #tpu.memory_space<hbm>>
    tpu.enqueue_indirect_dma source(%dma_start3A_26 : memref<1000000x32xf32, #tpu.memory_space<hbm>>) target(%arg32 : memref<128x32xf32, #tpu.memory_space<vmem>>) offsets(%dma_start3A_23 : memref<128xi32, #tpu.memory_space<vmem>>) semaphore(%arg40 : memref<!tpu.dma_semaphore, #tpu.memory_space<semaphore_mem>>)
    %dma_start3A_27 = arith.constant 3 : i32
    %dma_start3A_28 = arith.constant 0 : i32
    %dma_start3A_29 = tpu.memref_slice %arg26[%dma_start3A_27, %dma_start3A_28] : memref<8x128xi32, #tpu.memory_space<vmem>> -> memref<1x128xi32, #tpu.memory_space<vmem>>
    %dma_start3A_30 = tpu.memref_squeeze %dma_start3A_29 : memref<1x128xi32, #tpu.memory_space<vmem>> -> memref<128xi32, #tpu.memory_space<vmem>>
    %dma_start3A_31 = arith.constant 0 : i32
    %dma_start3A_32 = arith.constant 0 : i32
    %dma_start3A_33 = tpu.memref_slice %arg13[%dma_start3A_31, %dma_start3A_32] : memref<10000x32xf32, #tpu.memory_space<hbm>> -> memref<10000x32xf32, #tpu.memory_space<hbm>>
    tpu.enqueue_indirect_dma source(%dma_start3A_33 : memref<10000x32xf32, #tpu.memory_space<hbm>>) target(%arg33 : memref<128x32xf32, #tpu.memory_space<vmem>>) offsets(%dma_start3A_30 : memref<128xi32, #tpu.memory_space<vmem>>) semaphore(%arg41 : memref<!tpu.dma_semaphore, #tpu.memory_space<semaphore_mem>>)
    %dma_start3A_34 = arith.constant 4 : i32
    %dma_start3A_35 = arith.constant 0 : i32
    %dma_start3A_36 = tpu.memref_slice %arg26[%dma_start3A_34, %dma_start3A_35] : memref<8x128xi32, #tpu.memory_space<vmem>> -> memref<1x128xi32, #tpu.memory_space<vmem>>
    %dma_start3A_37 = tpu.memref_squeeze %dma_start3A_36 : memref<1x128xi32, #tpu.memory_space<vmem>> -> memref<128xi32, #tpu.memory_space<vmem>>
    %dma_start3A_38 = arith.constant 0 : i32
    %dma_start3A_39 = arith.constant 0 : i32
    %dma_start3A_40 = tpu.memref_slice %arg14[%dma_start3A_38, %dma_start3A_39] : memref<1000000x32xf32, #tpu.memory_space<hbm>> -> memref<1000000x32xf32, #tpu.memory_space<hbm>>
    tpu.enqueue_indirect_dma source(%dma_start3A_40 : memref<1000000x32xf32, #tpu.memory_space<hbm>>) target(%arg34 : memref<128x32xf32, #tpu.memory_space<vmem>>) offsets(%dma_start3A_37 : memref<128xi32, #tpu.memory_space<vmem>>) semaphore(%arg42 : memref<!tpu.dma_semaphore, #tpu.memory_space<semaphore_mem>>)
    %dma_start3A_41 = arith.constant 4 : i32
    %dma_start3A_42 = arith.constant 0 : i32
    %dma_start3A_43 = tpu.memref_slice %arg26[%dma_start3A_41, %dma_start3A_42] : memref<8x128xi32, #tpu.memory_space<vmem>> -> memref<1x128xi32, #tpu.memory_space<vmem>>
    %dma_start3A_44 = tpu.memref_squeeze %dma_start3A_43 : memref<1x128xi32, #tpu.memory_space<vmem>> -> memref<128xi32, #tpu.memory_space<vmem>>
    %dma_start3A_45 = arith.constant 0 : i32
    %dma_start3A_46 = arith.constant 0 : i32
    %dma_start3A_47 = tpu.memref_slice %arg15[%dma_start3A_45, %dma_start3A_46] : memref<1000000x32xf32, #tpu.memory_space<hbm>> -> memref<1000000x32xf32, #tpu.memory_space<hbm>>
    tpu.enqueue_indirect_dma source(%dma_start3A_47 : memref<1000000x32xf32, #tpu.memory_space<hbm>>) target(%arg35 : memref<128x32xf32, #tpu.memory_space<vmem>>) offsets(%dma_start3A_44 : memref<128xi32, #tpu.memory_space<vmem>>) semaphore(%arg43 : memref<!tpu.dma_semaphore, #tpu.memory_space<semaphore_mem>>)
    %dma_wait3A = arith.constant 0 : i32
    %dma_wait3A_48 = arith.constant 0 : i32
    %dma_wait3A_49 = tpu.memref_slice %arg26[%dma_wait3A, %dma_wait3A_48] : memref<8x128xi32, #tpu.memory_space<vmem>> -> memref<1x128xi32, #tpu.memory_space<vmem>>
    %dma_wait3A_50 = tpu.memref_squeeze %dma_wait3A_49 : memref<1x128xi32, #tpu.memory_space<vmem>> -> memref<128xi32, #tpu.memory_space<vmem>>
    %dma_wait3A_51 = arith.constant 0 : i32
    %dma_wait3A_52 = arith.constant 0 : i32
    %dma_wait3A_53 = tpu.memref_slice %arg10[%dma_wait3A_51, %dma_wait3A_52] : memref<1000x32xf32, #tpu.memory_space<hbm>> -> memref<1000x32xf32, #tpu.memory_space<hbm>>
    tpu.wait_indirect_dma semaphore(%arg38 : memref<!tpu.dma_semaphore, #tpu.memory_space<semaphore_mem>>) src(%dma_wait3A_53 : memref<1000x32xf32, #tpu.memory_space<hbm>>) dst(%arg30 : memref<128x32xf32, #tpu.memory_space<vmem>>)
    %dma_start3A_54 = arith.constant 0 : i32
    %dma_start3A_55 = tpu.memref_slice %arg16[%mul3A_2, %dma_start3A_54] : memref<4096x32xf32, #tpu.memory_space<hbm>> -> memref<128x32xf32, #tpu.memory_space<hbm>>
    %dma_start3A_56 = arith.constant 0 : i32
    %dma_start3A_57 = tpu.memref_slice %arg16[%mul3A_2, %dma_start3A_56] : memref<4096x32xf32, #tpu.memory_space<hbm>> -> memref<128x32xf32, #tpu.memory_space<hbm>>
    tpu.enqueue_dma source(%arg30 : memref<128x32xf32, #tpu.memory_space<vmem>>) target(%dma_start3A_57 : memref<128x32xf32, #tpu.memory_space<hbm>>) target_semaphore(%arg46 : memref<!tpu.dma_semaphore, #tpu.memory_space<semaphore_mem>>)
    %dma_wait3A_58 = arith.constant 1 : i32
    %dma_wait3A_59 = arith.constant 0 : i32
    %dma_wait3A_60 = tpu.memref_slice %arg26[%dma_wait3A_58, %dma_wait3A_59] : memref<8x128xi32, #tpu.memory_space<vmem>> -> memref<1x128xi32, #tpu.memory_space<vmem>>
    %dma_wait3A_61 = tpu.memref_squeeze %dma_wait3A_60 : memref<1x128xi32, #tpu.memory_space<vmem>> -> memref<128xi32, #tpu.memory_space<vmem>>
    %dma_wait3A_62 = arith.constant 0 : i32
    %dma_wait3A_63 = arith.constant 0 : i32
    %dma_wait3A_64 = tpu.memref_slice %arg11[%dma_wait3A_62, %dma_wait3A_63] : memref<100x32xf32, #tpu.memory_space<hbm>> -> memref<100x32xf32, #tpu.memory_space<hbm>>
    tpu.wait_indirect_dma semaphore(%arg39 : memref<!tpu.dma_semaphore, #tpu.memory_space<semaphore_mem>>) src(%dma_wait3A_64 : memref<100x32xf32, #tpu.memory_space<hbm>>) dst(%arg31 : memref<128x32xf32, #tpu.memory_space<vmem>>)
    %dma_start3A_65 = arith.constant 0 : i32
    %dma_start3A_66 = tpu.memref_slice %arg17[%mul3A_2, %dma_start3A_65] : memref<4096x32xf32, #tpu.memory_space<hbm>> -> memref<128x32xf32, #tpu.memory_space<hbm>>
    %dma_start3A_67 = arith.constant 0 : i32
    %dma_start3A_68 = tpu.memref_slice %arg17[%mul3A_2, %dma_start3A_67] : memref<4096x32xf32, #tpu.memory_space<hbm>> -> memref<128x32xf32, #tpu.memory_space<hbm>>
    tpu.enqueue_dma source(%arg31 : memref<128x32xf32, #tpu.memory_space<vmem>>) target(%dma_start3A_68 : memref<128x32xf32, #tpu.memory_space<hbm>>) target_semaphore(%arg46 : memref<!tpu.dma_semaphore, #tpu.memory_space<semaphore_mem>>)
    %dma_wait3A_69 = arith.constant 2 : i32
    %dma_wait3A_70 = arith.constant 0 : i32
    %dma_wait3A_71 = tpu.memref_slice %arg26[%dma_wait3A_69, %dma_wait3A_70] : memref<8x128xi32, #tpu.memory_space<vmem>> -> memref<1x128xi32, #tpu.memory_space<vmem>>
    %dma_wait3A_72 = tpu.memref_squeeze %dma_wait3A_71 : memref<1x128xi32, #tpu.memory_space<vmem>> -> memref<128xi32, #tpu.memory_space<vmem>>
    %dma_wait3A_73 = arith.constant 0 : i32
    %dma_wait3A_74 = arith.constant 0 : i32
    %dma_wait3A_75 = tpu.memref_slice %arg12[%dma_wait3A_73, %dma_wait3A_74] : memref<1000000x32xf32, #tpu.memory_space<hbm>> -> memref<1000000x32xf32, #tpu.memory_space<hbm>>
    tpu.wait_indirect_dma semaphore(%arg40 : memref<!tpu.dma_semaphore, #tpu.memory_space<semaphore_mem>>) src(%dma_wait3A_75 : memref<1000000x32xf32, #tpu.memory_space<hbm>>) dst(%arg32 : memref<128x32xf32, #tpu.memory_space<vmem>>)
    %dma_start3A_76 = arith.constant 0 : i32
    %dma_start3A_77 = tpu.memref_slice %arg18[%mul3A_2, %dma_start3A_76] : memref<4096x32xf32, #tpu.memory_space<hbm>> -> memref<128x32xf32, #tpu.memory_space<hbm>>
    %dma_start3A_78 = arith.constant 0 : i32
    %dma_start3A_79 = tpu.memref_slice %arg18[%mul3A_2, %dma_start3A_78] : memref<4096x32xf32, #tpu.memory_space<hbm>> -> memref<128x32xf32, #tpu.memory_space<hbm>>
    tpu.enqueue_dma source(%arg32 : memref<128x32xf32, #tpu.memory_space<vmem>>) target(%dma_start3A_79 : memref<128x32xf32, #tpu.memory_space<hbm>>) target_semaphore(%arg46 : memref<!tpu.dma_semaphore, #tpu.memory_space<semaphore_mem>>)
    %dma_wait3A_80 = arith.constant 3 : i32
    %dma_wait3A_81 = arith.constant 0 : i32
    %dma_wait3A_82 = tpu.memref_slice %arg26[%dma_wait3A_80, %dma_wait3A_81] : memref<8x128xi32, #tpu.memory_space<vmem>> -> memref<1x128xi32, #tpu.memory_space<vmem>>
    %dma_wait3A_83 = tpu.memref_squeeze %dma_wait3A_82 : memref<1x128xi32, #tpu.memory_space<vmem>> -> memref<128xi32, #tpu.memory_space<vmem>>
    %dma_wait3A_84 = arith.constant 0 : i32
    %dma_wait3A_85 = arith.constant 0 : i32
    %dma_wait3A_86 = tpu.memref_slice %arg13[%dma_wait3A_84, %dma_wait3A_85] : memref<10000x32xf32, #tpu.memory_space<hbm>> -> memref<10000x32xf32, #tpu.memory_space<hbm>>
    tpu.wait_indirect_dma semaphore(%arg41 : memref<!tpu.dma_semaphore, #tpu.memory_space<semaphore_mem>>) src(%dma_wait3A_86 : memref<10000x32xf32, #tpu.memory_space<hbm>>) dst(%arg33 : memref<128x32xf32, #tpu.memory_space<vmem>>)
    %dma_start3A_87 = arith.constant 0 : i32
    %dma_start3A_88 = tpu.memref_slice %arg19[%mul3A_2, %dma_start3A_87] : memref<4096x32xf32, #tpu.memory_space<hbm>> -> memref<128x32xf32, #tpu.memory_space<hbm>>
    %dma_start3A_89 = arith.constant 0 : i32
    %dma_start3A_90 = tpu.memref_slice %arg19[%mul3A_2, %dma_start3A_89] : memref<4096x32xf32, #tpu.memory_space<hbm>> -> memref<128x32xf32, #tpu.memory_space<hbm>>
    tpu.enqueue_dma source(%arg33 : memref<128x32xf32, #tpu.memory_space<vmem>>) target(%dma_start3A_90 : memref<128x32xf32, #tpu.memory_space<hbm>>) target_semaphore(%arg46 : memref<!tpu.dma_semaphore, #tpu.memory_space<semaphore_mem>>)
    %dma_wait3A_91 = arith.constant 4 : i32
    %dma_wait3A_92 = arith.constant 0 : i32
    %dma_wait3A_93 = tpu.memref_slice %arg26[%dma_wait3A_91, %dma_wait3A_92] : memref<8x128xi32, #tpu.memory_space<vmem>> -> memref<1x128xi32, #tpu.memory_space<vmem>>
    %dma_wait3A_94 = tpu.memref_squeeze %dma_wait3A_93 : memref<1x128xi32, #tpu.memory_space<vmem>> -> memref<128xi32, #tpu.memory_space<vmem>>
    %dma_wait3A_95 = arith.constant 0 : i32
    %dma_wait3A_96 = arith.constant 0 : i32
    %dma_wait3A_97 = tpu.memref_slice %arg14[%dma_wait3A_95, %dma_wait3A_96] : memref<1000000x32xf32, #tpu.memory_space<hbm>> -> memref<1000000x32xf32, #tpu.memory_space<hbm>>
    tpu.wait_indirect_dma semaphore(%arg42 : memref<!tpu.dma_semaphore, #tpu.memory_space<semaphore_mem>>) src(%dma_wait3A_97 : memref<1000000x32xf32, #tpu.memory_space<hbm>>) dst(%arg34 : memref<128x32xf32, #tpu.memory_space<vmem>>)
    %dma_start3A_98 = arith.constant 0 : i32
    %dma_start3A_99 = tpu.memref_slice %arg22[%mul3A_2, %dma_start3A_98] : memref<4096x32xf32, #tpu.memory_space<hbm>> -> memref<128x32xf32, #tpu.memory_space<hbm>>
    %dma_start3A_100 = arith.constant 0 : i32
    %dma_start3A_101 = tpu.memref_slice %arg22[%mul3A_2, %dma_start3A_100] : memref<4096x32xf32, #tpu.memory_space<hbm>> -> memref<128x32xf32, #tpu.memory_space<hbm>>
    tpu.enqueue_dma source(%arg34 : memref<128x32xf32, #tpu.memory_space<vmem>>) target(%dma_start3A_101 : memref<128x32xf32, #tpu.memory_space<hbm>>) target_semaphore(%arg46 : memref<!tpu.dma_semaphore, #tpu.memory_space<semaphore_mem>>)
    %dma_wait3A_102 = arith.constant 4 : i32
    %dma_wait3A_103 = arith.constant 0 : i32
    %dma_wait3A_104 = tpu.memref_slice %arg26[%dma_wait3A_102, %dma_wait3A_103] : memref<8x128xi32, #tpu.memory_space<vmem>> -> memref<1x128xi32, #tpu.memory_space<vmem>>
    %dma_wait3A_105 = tpu.memref_squeeze %dma_wait3A_104 : memref<1x128xi32, #tpu.memory_space<vmem>> -> memref<128xi32, #tpu.memory_space<vmem>>
    %dma_wait3A_106 = arith.constant 0 : i32
    %dma_wait3A_107 = arith.constant 0 : i32
    %dma_wait3A_108 = tpu.memref_slice %arg15[%dma_wait3A_106, %dma_wait3A_107] : memref<1000000x32xf32, #tpu.memory_space<hbm>> -> memref<1000000x32xf32, #tpu.memory_space<hbm>>
    tpu.wait_indirect_dma semaphore(%arg43 : memref<!tpu.dma_semaphore, #tpu.memory_space<semaphore_mem>>) src(%dma_wait3A_108 : memref<1000000x32xf32, #tpu.memory_space<hbm>>) dst(%arg35 : memref<128x32xf32, #tpu.memory_space<vmem>>)
    %dma_start3A_109 = arith.constant 0 : i32
    %dma_start3A_110 = tpu.memref_slice %arg23[%mul3A_2, %dma_start3A_109] : memref<4096x32xf32, #tpu.memory_space<hbm>> -> memref<128x32xf32, #tpu.memory_space<hbm>>
    %dma_start3A_111 = arith.constant 0 : i32
    %dma_start3A_112 = tpu.memref_slice %arg23[%mul3A_2, %dma_start3A_111] : memref<4096x32xf32, #tpu.memory_space<hbm>> -> memref<128x32xf32, #tpu.memory_space<hbm>>
    tpu.enqueue_dma source(%arg35 : memref<128x32xf32, #tpu.memory_space<vmem>>) target(%dma_start3A_112 : memref<128x32xf32, #tpu.memory_space<hbm>>) target_semaphore(%arg46 : memref<!tpu.dma_semaphore, #tpu.memory_space<semaphore_mem>>)
    %dma_wait3A_113 = arith.constant 0 : i32
    %dma_wait3A_114 = tpu.memref_slice %arg16[%mul3A_2, %dma_wait3A_113] : memref<4096x32xf32, #tpu.memory_space<hbm>> -> memref<128x32xf32, #tpu.memory_space<hbm>>
    %dma_wait3A_115 = arith.constant 0 : i32
    %dma_wait3A_116 = tpu.memref_slice %arg16[%mul3A_2, %dma_wait3A_115] : memref<4096x32xf32, #tpu.memory_space<hbm>> -> memref<128x32xf32, #tpu.memory_space<hbm>>
    tpu.wait_dma2 semaphore(%arg46 : memref<!tpu.dma_semaphore, #tpu.memory_space<semaphore_mem>>) src(%arg30 : memref<128x32xf32, #tpu.memory_space<vmem>>) dst(%dma_wait3A_116 : memref<128x32xf32, #tpu.memory_space<hbm>>)
    %dma_wait3A_117 = arith.constant 0 : i32
    %dma_wait3A_118 = tpu.memref_slice %arg17[%mul3A_2, %dma_wait3A_117] : memref<4096x32xf32, #tpu.memory_space<hbm>> -> memref<128x32xf32, #tpu.memory_space<hbm>>
    %dma_wait3A_119 = arith.constant 0 : i32
    %dma_wait3A_120 = tpu.memref_slice %arg17[%mul3A_2, %dma_wait3A_119] : memref<4096x32xf32, #tpu.memory_space<hbm>> -> memref<128x32xf32, #tpu.memory_space<hbm>>
    tpu.wait_dma2 semaphore(%arg46 : memref<!tpu.dma_semaphore, #tpu.memory_space<semaphore_mem>>) src(%arg31 : memref<128x32xf32, #tpu.memory_space<vmem>>) dst(%dma_wait3A_120 : memref<128x32xf32, #tpu.memory_space<hbm>>)
    %dma_wait3A_121 = arith.constant 0 : i32
    %dma_wait3A_122 = tpu.memref_slice %arg18[%mul3A_2, %dma_wait3A_121] : memref<4096x32xf32, #tpu.memory_space<hbm>> -> memref<128x32xf32, #tpu.memory_space<hbm>>
    %dma_wait3A_123 = arith.constant 0 : i32
    %dma_wait3A_124 = tpu.memref_slice %arg18[%mul3A_2, %dma_wait3A_123] : memref<4096x32xf32, #tpu.memory_space<hbm>> -> memref<128x32xf32, #tpu.memory_space<hbm>>
    tpu.wait_dma2 semaphore(%arg46 : memref<!tpu.dma_semaphore, #tpu.memory_space<semaphore_mem>>) src(%arg32 : memref<128x32xf32, #tpu.memory_space<vmem>>) dst(%dma_wait3A_124 : memref<128x32xf32, #tpu.memory_space<hbm>>)
    %dma_wait3A_125 = arith.constant 0 : i32
    %dma_wait3A_126 = tpu.memref_slice %arg19[%mul3A_2, %dma_wait3A_125] : memref<4096x32xf32, #tpu.memory_space<hbm>> -> memref<128x32xf32, #tpu.memory_space<hbm>>
    %dma_wait3A_127 = arith.constant 0 : i32
    %dma_wait3A_128 = tpu.memref_slice %arg19[%mul3A_2, %dma_wait3A_127] : memref<4096x32xf32, #tpu.memory_space<hbm>> -> memref<128x32xf32, #tpu.memory_space<hbm>>
    tpu.wait_dma2 semaphore(%arg46 : memref<!tpu.dma_semaphore, #tpu.memory_space<semaphore_mem>>) src(%arg33 : memref<128x32xf32, #tpu.memory_space<vmem>>) dst(%dma_wait3A_128 : memref<128x32xf32, #tpu.memory_space<hbm>>)
    %dma_wait3A_129 = arith.constant 0 : i32
    %dma_wait3A_130 = tpu.memref_slice %arg22[%mul3A_2, %dma_wait3A_129] : memref<4096x32xf32, #tpu.memory_space<hbm>> -> memref<128x32xf32, #tpu.memory_space<hbm>>
    %dma_wait3A_131 = arith.constant 0 : i32
    %dma_wait3A_132 = tpu.memref_slice %arg22[%mul3A_2, %dma_wait3A_131] : memref<4096x32xf32, #tpu.memory_space<hbm>> -> memref<128x32xf32, #tpu.memory_space<hbm>>
    tpu.wait_dma2 semaphore(%arg46 : memref<!tpu.dma_semaphore, #tpu.memory_space<semaphore_mem>>) src(%arg34 : memref<128x32xf32, #tpu.memory_space<vmem>>) dst(%dma_wait3A_132 : memref<128x32xf32, #tpu.memory_space<hbm>>)
    %dma_wait3A_133 = arith.constant 0 : i32
    %dma_wait3A_134 = tpu.memref_slice %arg23[%mul3A_2, %dma_wait3A_133] : memref<4096x32xf32, #tpu.memory_space<hbm>> -> memref<128x32xf32, #tpu.memory_space<hbm>>
    %dma_wait3A_135 = arith.constant 0 : i32
    %dma_wait3A_136 = tpu.memref_slice %arg23[%mul3A_2, %dma_wait3A_135] : memref<4096x32xf32, #tpu.memory_space<hbm>> -> memref<128x32xf32, #tpu.memory_space<hbm>>
    tpu.wait_dma2 semaphore(%arg46 : memref<!tpu.dma_semaphore, #tpu.memory_space<semaphore_mem>>) src(%arg35 : memref<128x32xf32, #tpu.memory_space<vmem>>) dst(%dma_wait3A_136 : memref<128x32xf32, #tpu.memory_space<hbm>>)
    %scan3A = arith.constant 0 : i32
    %scan3A_137 = arith.constant 0 : i32
    %scan3A_138 = arith.constant 5 : i32
    %scan3A_139 = arith.addi %scan3A_137, %scan3A_138 : i32
    %scan3A_140 = arith.constant 1 : i32
    scf.for %scan3A_148 = %scan3A_137 to %scan3A_139 step %scan3A_140  : i32 {
      %mul3A_149 = arith.constant 4 : i32
      %mul3A_150 = arith.muli %mul3A_149, %scan3A_148 : i32
      %add3A_151 = arith.constant 0 : i32
      %add3A_152 = arith.addi %mul3A_150, %add3A_151 : i32
      %mul3A_153 = arith.constant 4 : i32
      %mul3A_154 = arith.muli %mul3A_153, %scan3A_148 : i32
      %add3A_155 = arith.constant 0 : i32
      %add3A_156 = arith.addi %mul3A_154, %add3A_155 : i32
      %mul3A_157 = arith.constant 4 : i32
      %mul3A_158 = arith.muli %mul3A_157, %scan3A_148 : i32
      %add3A_159 = arith.constant 0 : i32
      %add3A_160 = arith.addi %mul3A_158, %add3A_159 : i32
      %mul3A_161 = arith.constant 4 : i32
      %mul3A_162 = arith.muli %mul3A_161, %scan3A_148 : i32
      %add3A_163 = arith.constant 0 : i32
      %add3A_164 = arith.addi %mul3A_162, %add3A_163 : i32
      %mul3A_165 = arith.constant 4 : i32
      %mul3A_166 = arith.muli %mul3A_165, %scan3A_148 : i32
      %add3A_167 = arith.constant 1 : i32
      %add3A_168 = arith.addi %mul3A_166, %add3A_167 : i32
      %mul3A_169 = arith.constant 4 : i32
      %mul3A_170 = arith.muli %mul3A_169, %scan3A_148 : i32
      %add3A_171 = arith.constant 1 : i32
      %add3A_172 = arith.addi %mul3A_170, %add3A_171 : i32
      %mul3A_173 = arith.constant 4 : i32
      %mul3A_174 = arith.muli %mul3A_173, %scan3A_148 : i32
      %add3A_175 = arith.constant 1 : i32
      %add3A_176 = arith.addi %mul3A_174, %add3A_175 : i32
      %mul3A_177 = arith.constant 4 : i32
      %mul3A_178 = arith.muli %mul3A_177, %scan3A_148 : i32
      %add3A_179 = arith.constant 1 : i32
      %add3A_180 = arith.addi %mul3A_178, %add3A_179 : i32
      %mul3A_181 = arith.constant 4 : i32
      %mul3A_182 = arith.muli %mul3A_181, %scan3A_148 : i32
      %add3A_183 = arith.constant 2 : i32
      %add3A_184 = arith.addi %mul3A_182, %add3A_183 : i32
      %mul3A_185 = arith.constant 4 : i32
      %mul3A_186 = arith.muli %mul3A_185, %scan3A_148 : i32
      %add3A_187 = arith.constant 2 : i32
      %add3A_188 = arith.addi %mul3A_186, %add3A_187 : i32
      %mul3A_189 = arith.constant 4 : i32
      %mul3A_190 = arith.muli %mul3A_189, %scan3A_148 : i32
      %add3A_191 = arith.constant 2 : i32
      %add3A_192 = arith.addi %mul3A_190, %add3A_191 : i32
      %mul3A_193 = arith.constant 4 : i32
      %mul3A_194 = arith.muli %mul3A_193, %scan3A_148 : i32
      %add3A_195 = arith.constant 2 : i32
      %add3A_196 = arith.addi %mul3A_194, %add3A_195 : i32
      %mul3A_197 = arith.constant 4 : i32
      %mul3A_198 = arith.muli %mul3A_197, %scan3A_148 : i32
      %add3A_199 = arith.constant 3 : i32
      %add3A_200 = arith.addi %mul3A_198, %add3A_199 : i32
      %mul3A_201 = arith.constant 4 : i32
      %mul3A_202 = arith.muli %mul3A_201, %scan3A_148 : i32
      %add3A_203 = arith.constant 3 : i32
      %add3A_204 = arith.addi %mul3A_202, %add3A_203 : i32
      %mul3A_205 = arith.constant 4 : i32
      %mul3A_206 = arith.muli %mul3A_205, %scan3A_148 : i32
      %add3A_207 = arith.constant 3 : i32
      %add3A_208 = arith.addi %mul3A_206, %add3A_207 : i32
      %mul3A_209 = arith.constant 4 : i32
      %mul3A_210 = arith.muli %mul3A_209, %scan3A_148 : i32
      %add3A_211 = arith.constant 3 : i32
      %add3A_212 = arith.addi %mul3A_210, %add3A_211 : i32
      %dma_start3A_213 = arith.constant 0 : i32
      %dma_start3A_214 = tpu.memref_slice %arg27[%add3A_152, %dma_start3A_213] : memref<20x128xi32, #tpu.memory_space<vmem>> -> memref<1x128xi32, #tpu.memory_space<vmem>>
      %dma_start3A_215 = tpu.memref_squeeze %dma_start3A_214 : memref<1x128xi32, #tpu.memory_space<vmem>> -> memref<128xi32, #tpu.memory_space<vmem>>
      %dma_start3A_216 = arith.constant 0 : i32
      %dma_start3A_217 = arith.constant 0 : i32
      %dma_start3A_218 = tpu.memref_slice %arg14[%dma_start3A_216, %dma_start3A_217] : memref<1000000x32xf32, #tpu.memory_space<hbm>> -> memref<1000000x32xf32, #tpu.memory_space<hbm>>
      tpu.enqueue_indirect_dma source(%dma_start3A_218 : memref<1000000x32xf32, #tpu.memory_space<hbm>>) target(%arg30 : memref<128x32xf32, #tpu.memory_space<vmem>>) offsets(%dma_start3A_215 : memref<128xi32, #tpu.memory_space<vmem>>) semaphore(%arg38 : memref<!tpu.dma_semaphore, #tpu.memory_space<semaphore_mem>>)
      %dma_start3A_219 = arith.constant 0 : i32
      %dma_start3A_220 = tpu.memref_slice %arg27[%add3A_160, %dma_start3A_219] : memref<20x128xi32, #tpu.memory_space<vmem>> -> memref<1x128xi32, #tpu.memory_space<vmem>>
      %dma_start3A_221 = tpu.memref_squeeze %dma_start3A_220 : memref<1x128xi32, #tpu.memory_space<vmem>> -> memref<128xi32, #tpu.memory_space<vmem>>
      %dma_start3A_222 = arith.constant 0 : i32
      %dma_start3A_223 = arith.constant 0 : i32
      %dma_start3A_224 = tpu.memref_slice %arg15[%dma_start3A_222, %dma_start3A_223] : memref<1000000x32xf32, #tpu.memory_space<hbm>> -> memref<1000000x32xf32, #tpu.memory_space<hbm>>
      tpu.enqueue_indirect_dma source(%dma_start3A_224 : memref<1000000x32xf32, #tpu.memory_space<hbm>>) target(%arg31 : memref<128x32xf32, #tpu.memory_space<vmem>>) offsets(%dma_start3A_221 : memref<128xi32, #tpu.memory_space<vmem>>) semaphore(%arg39 : memref<!tpu.dma_semaphore, #tpu.memory_space<semaphore_mem>>)
      %dma_start3A_225 = arith.constant 0 : i32
      %dma_start3A_226 = tpu.memref_slice %arg27[%add3A_168, %dma_start3A_225] : memref<20x128xi32, #tpu.memory_space<vmem>> -> memref<1x128xi32, #tpu.memory_space<vmem>>
      %dma_start3A_227 = tpu.memref_squeeze %dma_start3A_226 : memref<1x128xi32, #tpu.memory_space<vmem>> -> memref<128xi32, #tpu.memory_space<vmem>>
      %dma_start3A_228 = arith.constant 0 : i32
      %dma_start3A_229 = arith.constant 0 : i32
      %dma_start3A_230 = tpu.memref_slice %arg14[%dma_start3A_228, %dma_start3A_229] : memref<1000000x32xf32, #tpu.memory_space<hbm>> -> memref<1000000x32xf32, #tpu.memory_space<hbm>>
      tpu.enqueue_indirect_dma source(%dma_start3A_230 : memref<1000000x32xf32, #tpu.memory_space<hbm>>) target(%arg32 : memref<128x32xf32, #tpu.memory_space<vmem>>) offsets(%dma_start3A_227 : memref<128xi32, #tpu.memory_space<vmem>>) semaphore(%arg40 : memref<!tpu.dma_semaphore, #tpu.memory_space<semaphore_mem>>)
      %dma_start3A_231 = arith.constant 0 : i32
      %dma_start3A_232 = tpu.memref_slice %arg27[%add3A_176, %dma_start3A_231] : memref<20x128xi32, #tpu.memory_space<vmem>> -> memref<1x128xi32, #tpu.memory_space<vmem>>
      %dma_start3A_233 = tpu.memref_squeeze %dma_start3A_232 : memref<1x128xi32, #tpu.memory_space<vmem>> -> memref<128xi32, #tpu.memory_space<vmem>>
      %dma_start3A_234 = arith.constant 0 : i32
      %dma_start3A_235 = arith.constant 0 : i32
      %dma_start3A_236 = tpu.memref_slice %arg15[%dma_start3A_234, %dma_start3A_235] : memref<1000000x32xf32, #tpu.memory_space<hbm>> -> memref<1000000x32xf32, #tpu.memory_space<hbm>>
      tpu.enqueue_indirect_dma source(%dma_start3A_236 : memref<1000000x32xf32, #tpu.memory_space<hbm>>) target(%arg33 : memref<128x32xf32, #tpu.memory_space<vmem>>) offsets(%dma_start3A_233 : memref<128xi32, #tpu.memory_space<vmem>>) semaphore(%arg41 : memref<!tpu.dma_semaphore, #tpu.memory_space<semaphore_mem>>)
      %dma_start3A_237 = arith.constant 0 : i32
      %dma_start3A_238 = tpu.memref_slice %arg27[%add3A_184, %dma_start3A_237] : memref<20x128xi32, #tpu.memory_space<vmem>> -> memref<1x128xi32, #tpu.memory_space<vmem>>
      %dma_start3A_239 = tpu.memref_squeeze %dma_start3A_238 : memref<1x128xi32, #tpu.memory_space<vmem>> -> memref<128xi32, #tpu.memory_space<vmem>>
      %dma_start3A_240 = arith.constant 0 : i32
      %dma_start3A_241 = arith.constant 0 : i32
      %dma_start3A_242 = tpu.memref_slice %arg14[%dma_start3A_240, %dma_start3A_241] : memref<1000000x32xf32, #tpu.memory_space<hbm>> -> memref<1000000x32xf32, #tpu.memory_space<hbm>>
      tpu.enqueue_indirect_dma source(%dma_start3A_242 : memref<1000000x32xf32, #tpu.memory_space<hbm>>) target(%arg34 : memref<128x32xf32, #tpu.memory_space<vmem>>) offsets(%dma_start3A_239 : memref<128xi32, #tpu.memory_space<vmem>>) semaphore(%arg42 : memref<!tpu.dma_semaphore, #tpu.memory_space<semaphore_mem>>)
      %dma_start3A_243 = arith.constant 0 : i32
      %dma_start3A_244 = tpu.memref_slice %arg27[%add3A_192, %dma_start3A_243] : memref<20x128xi32, #tpu.memory_space<vmem>> -> memref<1x128xi32, #tpu.memory_space<vmem>>
      %dma_start3A_245 = tpu.memref_squeeze %dma_start3A_244 : memref<1x128xi32, #tpu.memory_space<vmem>> -> memref<128xi32, #tpu.memory_space<vmem>>
      %dma_start3A_246 = arith.constant 0 : i32
      %dma_start3A_247 = arith.constant 0 : i32
      %dma_start3A_248 = tpu.memref_slice %arg15[%dma_start3A_246, %dma_start3A_247] : memref<1000000x32xf32, #tpu.memory_space<hbm>> -> memref<1000000x32xf32, #tpu.memory_space<hbm>>
      tpu.enqueue_indirect_dma source(%dma_start3A_248 : memref<1000000x32xf32, #tpu.memory_space<hbm>>) target(%arg35 : memref<128x32xf32, #tpu.memory_space<vmem>>) offsets(%dma_start3A_245 : memref<128xi32, #tpu.memory_space<vmem>>) semaphore(%arg43 : memref<!tpu.dma_semaphore, #tpu.memory_space<semaphore_mem>>)
      %dma_start3A_249 = arith.constant 0 : i32
      %dma_start3A_250 = tpu.memref_slice %arg27[%add3A_200, %dma_start3A_249] : memref<20x128xi32, #tpu.memory_space<vmem>> -> memref<1x128xi32, #tpu.memory_space<vmem>>
      %dma_start3A_251 = tpu.memref_squeeze %dma_start3A_250 : memref<1x128xi32, #tpu.memory_space<vmem>> -> memref<128xi32, #tpu.memory_space<vmem>>
      %dma_start3A_252 = arith.constant 0 : i32
      %dma_start3A_253 = arith.constant 0 : i32
      %dma_start3A_254 = tpu.memref_slice %arg14[%dma_start3A_252, %dma_start3A_253] : memref<1000000x32xf32, #tpu.memory_space<hbm>> -> memref<1000000x32xf32, #tpu.memory_space<hbm>>
      tpu.enqueue_indirect_dma source(%dma_start3A_254 : memref<1000000x32xf32, #tpu.memory_space<hbm>>) target(%arg36 : memref<128x32xf32, #tpu.memory_space<vmem>>) offsets(%dma_start3A_251 : memref<128xi32, #tpu.memory_space<vmem>>) semaphore(%arg44 : memref<!tpu.dma_semaphore, #tpu.memory_space<semaphore_mem>>)
      %dma_start3A_255 = arith.constant 0 : i32
      %dma_start3A_256 = tpu.memref_slice %arg27[%add3A_208, %dma_start3A_255] : memref<20x128xi32, #tpu.memory_space<vmem>> -> memref<1x128xi32, #tpu.memory_space<vmem>>
      %dma_start3A_257 = tpu.memref_squeeze %dma_start3A_256 : memref<1x128xi32, #tpu.memory_space<vmem>> -> memref<128xi32, #tpu.memory_space<vmem>>
      %dma_start3A_258 = arith.constant 0 : i32
      %dma_start3A_259 = arith.constant 0 : i32
      %dma_start3A_260 = tpu.memref_slice %arg15[%dma_start3A_258, %dma_start3A_259] : memref<1000000x32xf32, #tpu.memory_space<hbm>> -> memref<1000000x32xf32, #tpu.memory_space<hbm>>
      tpu.enqueue_indirect_dma source(%dma_start3A_260 : memref<1000000x32xf32, #tpu.memory_space<hbm>>) target(%arg37 : memref<128x32xf32, #tpu.memory_space<vmem>>) offsets(%dma_start3A_257 : memref<128xi32, #tpu.memory_space<vmem>>) semaphore(%arg45 : memref<!tpu.dma_semaphore, #tpu.memory_space<semaphore_mem>>)
      %dma_wait3A_261 = arith.constant 0 : i32
      %dma_wait3A_262 = tpu.memref_slice %arg27[%add3A_152, %dma_wait3A_261] : memref<20x128xi32, #tpu.memory_space<vmem>> -> memref<1x128xi32, #tpu.memory_space<vmem>>
      %dma_wait3A_263 = tpu.memref_squeeze %dma_wait3A_262 : memref<1x128xi32, #tpu.memory_space<vmem>> -> memref<128xi32, #tpu.memory_space<vmem>>
      %dma_wait3A_264 = arith.constant 0 : i32
      %dma_wait3A_265 = arith.constant 0 : i32
      %dma_wait3A_266 = tpu.memref_slice %arg14[%dma_wait3A_264, %dma_wait3A_265] : memref<1000000x32xf32, #tpu.memory_space<hbm>> -> memref<1000000x32xf32, #tpu.memory_space<hbm>>
      tpu.wait_indirect_dma semaphore(%arg38 : memref<!tpu.dma_semaphore, #tpu.memory_space<semaphore_mem>>) src(%dma_wait3A_266 : memref<1000000x32xf32, #tpu.memory_space<hbm>>) dst(%arg30 : memref<128x32xf32, #tpu.memory_space<vmem>>)
      %dma_start3A_267 = arith.constant 0 : i32
      %dma_start3A_268 = arith.constant 0 : i32
      %dma_start3A_269 = tpu.memref_slice %arg24[%add3A_156, %dma_start3A_267, %dma_start3A_268] : memref<20x4096x32xf32, #tpu.memory_space<hbm>> -> memref<1x4096x32xf32, #tpu.memory_space<hbm>>
      %dma_start3A_270 = tpu.memref_squeeze %dma_start3A_269 : memref<1x4096x32xf32, #tpu.memory_space<hbm>> -> memref<4096x32xf32, #tpu.memory_space<hbm>>
      %dma_start3A_271 = arith.constant 0 : i32
      %dma_start3A_272 = tpu.memref_slice %dma_start3A_270[%mul3A_2, %dma_start3A_271] : memref<4096x32xf32, #tpu.memory_space<hbm>> -> memref<128x32xf32, #tpu.memory_space<hbm>>
      %dma_start3A_273 = arith.constant 0 : i32
      %dma_start3A_274 = arith.constant 0 : i32
      %dma_start3A_275 = tpu.memref_slice %arg24[%add3A_156, %dma_start3A_273, %dma_start3A_274] : memref<20x4096x32xf32, #tpu.memory_space<hbm>> -> memref<1x4096x32xf32, #tpu.memory_space<hbm>>
      %dma_start3A_276 = tpu.memref_squeeze %dma_start3A_275 : memref<1x4096x32xf32, #tpu.memory_space<hbm>> -> memref<4096x32xf32, #tpu.memory_space<hbm>>
      %dma_start3A_277 = arith.constant 0 : i32
      %dma_start3A_278 = tpu.memref_slice %dma_start3A_276[%mul3A_2, %dma_start3A_277] : memref<4096x32xf32, #tpu.memory_space<hbm>> -> memref<128x32xf32, #tpu.memory_space<hbm>>
      tpu.enqueue_dma source(%arg30 : memref<128x32xf32, #tpu.memory_space<vmem>>) target(%dma_start3A_278 : memref<128x32xf32, #tpu.memory_space<hbm>>) target_semaphore(%arg46 : memref<!tpu.dma_semaphore, #tpu.memory_space<semaphore_mem>>)
      %dma_wait3A_279 = arith.constant 0 : i32
      %dma_wait3A_280 = tpu.memref_slice %arg27[%add3A_160, %dma_wait3A_279] : memref<20x128xi32, #tpu.memory_space<vmem>> -> memref<1x128xi32, #tpu.memory_space<vmem>>
      %dma_wait3A_281 = tpu.memref_squeeze %dma_wait3A_280 : memref<1x128xi32, #tpu.memory_space<vmem>> -> memref<128xi32, #tpu.memory_space<vmem>>
      %dma_wait3A_282 = arith.constant 0 : i32
      %dma_wait3A_283 = arith.constant 0 : i32
      %dma_wait3A_284 = tpu.memref_slice %arg15[%dma_wait3A_282, %dma_wait3A_283] : memref<1000000x32xf32, #tpu.memory_space<hbm>> -> memref<1000000x32xf32, #tpu.memory_space<hbm>>
      tpu.wait_indirect_dma semaphore(%arg39 : memref<!tpu.dma_semaphore, #tpu.memory_space<semaphore_mem>>) src(%dma_wait3A_284 : memref<1000000x32xf32, #tpu.memory_space<hbm>>) dst(%arg31 : memref<128x32xf32, #tpu.memory_space<vmem>>)
      %dma_start3A_285 = arith.constant 0 : i32
      %dma_start3A_286 = arith.constant 0 : i32
      %dma_start3A_287 = tpu.memref_slice %arg25[%add3A_164, %dma_start3A_285, %dma_start3A_286] : memref<20x4096x32xf32, #tpu.memory_space<hbm>> -> memref<1x4096x32xf32, #tpu.memory_space<hbm>>
      %dma_start3A_288 = tpu.memref_squeeze %dma_start3A_287 : memref<1x4096x32xf32, #tpu.memory_space<hbm>> -> memref<4096x32xf32, #tpu.memory_space<hbm>>
      %dma_start3A_289 = arith.constant 0 : i32
      %dma_start3A_290 = tpu.memref_slice %dma_start3A_288[%mul3A_2, %dma_start3A_289] : memref<4096x32xf32, #tpu.memory_space<hbm>> -> memref<128x32xf32, #tpu.memory_space<hbm>>
      %dma_start3A_291 = arith.constant 0 : i32
      %dma_start3A_292 = arith.constant 0 : i32
      %dma_start3A_293 = tpu.memref_slice %arg25[%add3A_164, %dma_start3A_291, %dma_start3A_292] : memref<20x4096x32xf32, #tpu.memory_space<hbm>> -> memref<1x4096x32xf32, #tpu.memory_space<hbm>>
      %dma_start3A_294 = tpu.memref_squeeze %dma_start3A_293 : memref<1x4096x32xf32, #tpu.memory_space<hbm>> -> memref<4096x32xf32, #tpu.memory_space<hbm>>
      %dma_start3A_295 = arith.constant 0 : i32
      %dma_start3A_296 = tpu.memref_slice %dma_start3A_294[%mul3A_2, %dma_start3A_295] : memref<4096x32xf32, #tpu.memory_space<hbm>> -> memref<128x32xf32, #tpu.memory_space<hbm>>
      tpu.enqueue_dma source(%arg31 : memref<128x32xf32, #tpu.memory_space<vmem>>) target(%dma_start3A_296 : memref<128x32xf32, #tpu.memory_space<hbm>>) target_semaphore(%arg46 : memref<!tpu.dma_semaphore, #tpu.memory_space<semaphore_mem>>)
      %dma_wait3A_297 = arith.constant 0 : i32
      %dma_wait3A_298 = tpu.memref_slice %arg27[%add3A_168, %dma_wait3A_297] : memref<20x128xi32, #tpu.memory_space<vmem>> -> memref<1x128xi32, #tpu.memory_space<vmem>>
      %dma_wait3A_299 = tpu.memref_squeeze %dma_wait3A_298 : memref<1x128xi32, #tpu.memory_space<vmem>> -> memref<128xi32, #tpu.memory_space<vmem>>
      %dma_wait3A_300 = arith.constant 0 : i32
      %dma_wait3A_301 = arith.constant 0 : i32
      %dma_wait3A_302 = tpu.memref_slice %arg14[%dma_wait3A_300, %dma_wait3A_301] : memref<1000000x32xf32, #tpu.memory_space<hbm>> -> memref<1000000x32xf32, #tpu.memory_space<hbm>>
      tpu.wait_indirect_dma semaphore(%arg40 : memref<!tpu.dma_semaphore, #tpu.memory_space<semaphore_mem>>) src(%dma_wait3A_302 : memref<1000000x32xf32, #tpu.memory_space<hbm>>) dst(%arg32 : memref<128x32xf32, #tpu.memory_space<vmem>>)
      %dma_start3A_303 = arith.constant 0 : i32
      %dma_start3A_304 = arith.constant 0 : i32
      %dma_start3A_305 = tpu.memref_slice %arg24[%add3A_172, %dma_start3A_303, %dma_start3A_304] : memref<20x4096x32xf32, #tpu.memory_space<hbm>> -> memref<1x4096x32xf32, #tpu.memory_space<hbm>>
      %dma_start3A_306 = tpu.memref_squeeze %dma_start3A_305 : memref<1x4096x32xf32, #tpu.memory_space<hbm>> -> memref<4096x32xf32, #tpu.memory_space<hbm>>
      %dma_start3A_307 = arith.constant 0 : i32
      %dma_start3A_308 = tpu.memref_slice %dma_start3A_306[%mul3A_2, %dma_start3A_307] : memref<4096x32xf32, #tpu.memory_space<hbm>> -> memref<128x32xf32, #tpu.memory_space<hbm>>
      %dma_start3A_309 = arith.constant 0 : i32
      %dma_start3A_310 = arith.constant 0 : i32
      %dma_start3A_311 = tpu.memref_slice %arg24[%add3A_172, %dma_start3A_309, %dma_start3A_310] : memref<20x4096x32xf32, #tpu.memory_space<hbm>> -> memref<1x4096x32xf32, #tpu.memory_space<hbm>>
      %dma_start3A_312 = tpu.memref_squeeze %dma_start3A_311 : memref<1x4096x32xf32, #tpu.memory_space<hbm>> -> memref<4096x32xf32, #tpu.memory_space<hbm>>
      %dma_start3A_313 = arith.constant 0 : i32
      %dma_start3A_314 = tpu.memref_slice %dma_start3A_312[%mul3A_2, %dma_start3A_313] : memref<4096x32xf32, #tpu.memory_space<hbm>> -> memref<128x32xf32, #tpu.memory_space<hbm>>
      tpu.enqueue_dma source(%arg32 : memref<128x32xf32, #tpu.memory_space<vmem>>) target(%dma_start3A_314 : memref<128x32xf32, #tpu.memory_space<hbm>>) target_semaphore(%arg46 : memref<!tpu.dma_semaphore, #tpu.memory_space<semaphore_mem>>)
      %dma_wait3A_315 = arith.constant 0 : i32
      %dma_wait3A_316 = tpu.memref_slice %arg27[%add3A_176, %dma_wait3A_315] : memref<20x128xi32, #tpu.memory_space<vmem>> -> memref<1x128xi32, #tpu.memory_space<vmem>>
      %dma_wait3A_317 = tpu.memref_squeeze %dma_wait3A_316 : memref<1x128xi32, #tpu.memory_space<vmem>> -> memref<128xi32, #tpu.memory_space<vmem>>
      %dma_wait3A_318 = arith.constant 0 : i32
      %dma_wait3A_319 = arith.constant 0 : i32
      %dma_wait3A_320 = tpu.memref_slice %arg15[%dma_wait3A_318, %dma_wait3A_319] : memref<1000000x32xf32, #tpu.memory_space<hbm>> -> memref<1000000x32xf32, #tpu.memory_space<hbm>>
      tpu.wait_indirect_dma semaphore(%arg41 : memref<!tpu.dma_semaphore, #tpu.memory_space<semaphore_mem>>) src(%dma_wait3A_320 : memref<1000000x32xf32, #tpu.memory_space<hbm>>) dst(%arg33 : memref<128x32xf32, #tpu.memory_space<vmem>>)
      %dma_start3A_321 = arith.constant 0 : i32
      %dma_start3A_322 = arith.constant 0 : i32
      %dma_start3A_323 = tpu.memref_slice %arg25[%add3A_180, %dma_start3A_321, %dma_start3A_322] : memref<20x4096x32xf32, #tpu.memory_space<hbm>> -> memref<1x4096x32xf32, #tpu.memory_space<hbm>>
      %dma_start3A_324 = tpu.memref_squeeze %dma_start3A_323 : memref<1x4096x32xf32, #tpu.memory_space<hbm>> -> memref<4096x32xf32, #tpu.memory_space<hbm>>
      %dma_start3A_325 = arith.constant 0 : i32
      %dma_start3A_326 = tpu.memref_slice %dma_start3A_324[%mul3A_2, %dma_start3A_325] : memref<4096x32xf32, #tpu.memory_space<hbm>> -> memref<128x32xf32, #tpu.memory_space<hbm>>
      %dma_start3A_327 = arith.constant 0 : i32
      %dma_start3A_328 = arith.constant 0 : i32
      %dma_start3A_329 = tpu.memref_slice %arg25[%add3A_180, %dma_start3A_327, %dma_start3A_328] : memref<20x4096x32xf32, #tpu.memory_space<hbm>> -> memref<1x4096x32xf32, #tpu.memory_space<hbm>>
      %dma_start3A_330 = tpu.memref_squeeze %dma_start3A_329 : memref<1x4096x32xf32, #tpu.memory_space<hbm>> -> memref<4096x32xf32, #tpu.memory_space<hbm>>
      %dma_start3A_331 = arith.constant 0 : i32
      %dma_start3A_332 = tpu.memref_slice %dma_start3A_330[%mul3A_2, %dma_start3A_331] : memref<4096x32xf32, #tpu.memory_space<hbm>> -> memref<128x32xf32, #tpu.memory_space<hbm>>
      tpu.enqueue_dma source(%arg33 : memref<128x32xf32, #tpu.memory_space<vmem>>) target(%dma_start3A_332 : memref<128x32xf32, #tpu.memory_space<hbm>>) target_semaphore(%arg46 : memref<!tpu.dma_semaphore, #tpu.memory_space<semaphore_mem>>)
      %dma_wait3A_333 = arith.constant 0 : i32
      %dma_wait3A_334 = tpu.memref_slice %arg27[%add3A_184, %dma_wait3A_333] : memref<20x128xi32, #tpu.memory_space<vmem>> -> memref<1x128xi32, #tpu.memory_space<vmem>>
      %dma_wait3A_335 = tpu.memref_squeeze %dma_wait3A_334 : memref<1x128xi32, #tpu.memory_space<vmem>> -> memref<128xi32, #tpu.memory_space<vmem>>
      %dma_wait3A_336 = arith.constant 0 : i32
      %dma_wait3A_337 = arith.constant 0 : i32
      %dma_wait3A_338 = tpu.memref_slice %arg14[%dma_wait3A_336, %dma_wait3A_337] : memref<1000000x32xf32, #tpu.memory_space<hbm>> -> memref<1000000x32xf32, #tpu.memory_space<hbm>>
      tpu.wait_indirect_dma semaphore(%arg42 : memref<!tpu.dma_semaphore, #tpu.memory_space<semaphore_mem>>) src(%dma_wait3A_338 : memref<1000000x32xf32, #tpu.memory_space<hbm>>) dst(%arg34 : memref<128x32xf32, #tpu.memory_space<vmem>>)
      %dma_start3A_339 = arith.constant 0 : i32
      %dma_start3A_340 = arith.constant 0 : i32
      %dma_start3A_341 = tpu.memref_slice %arg24[%add3A_188, %dma_start3A_339, %dma_start3A_340] : memref<20x4096x32xf32, #tpu.memory_space<hbm>> -> memref<1x4096x32xf32, #tpu.memory_space<hbm>>
      %dma_start3A_342 = tpu.memref_squeeze %dma_start3A_341 : memref<1x4096x32xf32, #tpu.memory_space<hbm>> -> memref<4096x32xf32, #tpu.memory_space<hbm>>
      %dma_start3A_343 = arith.constant 0 : i32
      %dma_start3A_344 = tpu.memref_slice %dma_start3A_342[%mul3A_2, %dma_start3A_343] : memref<4096x32xf32, #tpu.memory_space<hbm>> -> memref<128x32xf32, #tpu.memory_space<hbm>>
      %dma_start3A_345 = arith.constant 0 : i32
      %dma_start3A_346 = arith.constant 0 : i32
      %dma_start3A_347 = tpu.memref_slice %arg24[%add3A_188, %dma_start3A_345, %dma_start3A_346] : memref<20x4096x32xf32, #tpu.memory_space<hbm>> -> memref<1x4096x32xf32, #tpu.memory_space<hbm>>
      %dma_start3A_348 = tpu.memref_squeeze %dma_start3A_347 : memref<1x4096x32xf32, #tpu.memory_space<hbm>> -> memref<4096x32xf32, #tpu.memory_space<hbm>>
      %dma_start3A_349 = arith.constant 0 : i32
      %dma_start3A_350 = tpu.memref_slice %dma_start3A_348[%mul3A_2, %dma_start3A_349] : memref<4096x32xf32, #tpu.memory_space<hbm>> -> memref<128x32xf32, #tpu.memory_space<hbm>>
      tpu.enqueue_dma source(%arg34 : memref<128x32xf32, #tpu.memory_space<vmem>>) target(%dma_start3A_350 : memref<128x32xf32, #tpu.memory_space<hbm>>) target_semaphore(%arg46 : memref<!tpu.dma_semaphore, #tpu.memory_space<semaphore_mem>>)
      %dma_wait3A_351 = arith.constant 0 : i32
      %dma_wait3A_352 = tpu.memref_slice %arg27[%add3A_192, %dma_wait3A_351] : memref<20x128xi32, #tpu.memory_space<vmem>> -> memref<1x128xi32, #tpu.memory_space<vmem>>
      %dma_wait3A_353 = tpu.memref_squeeze %dma_wait3A_352 : memref<1x128xi32, #tpu.memory_space<vmem>> -> memref<128xi32, #tpu.memory_space<vmem>>
      %dma_wait3A_354 = arith.constant 0 : i32
      %dma_wait3A_355 = arith.constant 0 : i32
      %dma_wait3A_356 = tpu.memref_slice %arg15[%dma_wait3A_354, %dma_wait3A_355] : memref<1000000x32xf32, #tpu.memory_space<hbm>> -> memref<1000000x32xf32, #tpu.memory_space<hbm>>
      tpu.wait_indirect_dma semaphore(%arg43 : memref<!tpu.dma_semaphore, #tpu.memory_space<semaphore_mem>>) src(%dma_wait3A_356 : memref<1000000x32xf32, #tpu.memory_space<hbm>>) dst(%arg35 : memref<128x32xf32, #tpu.memory_space<vmem>>)
      %dma_start3A_357 = arith.constant 0 : i32
      %dma_start3A_358 = arith.constant 0 : i32
      %dma_start3A_359 = tpu.memref_slice %arg25[%add3A_196, %dma_start3A_357, %dma_start3A_358] : memref<20x4096x32xf32, #tpu.memory_space<hbm>> -> memref<1x4096x32xf32, #tpu.memory_space<hbm>>
      %dma_start3A_360 = tpu.memref_squeeze %dma_start3A_359 : memref<1x4096x32xf32, #tpu.memory_space<hbm>> -> memref<4096x32xf32, #tpu.memory_space<hbm>>
      %dma_start3A_361 = arith.constant 0 : i32
      %dma_start3A_362 = tpu.memref_slice %dma_start3A_360[%mul3A_2, %dma_start3A_361] : memref<4096x32xf32, #tpu.memory_space<hbm>> -> memref<128x32xf32, #tpu.memory_space<hbm>>
      %dma_start3A_363 = arith.constant 0 : i32
      %dma_start3A_364 = arith.constant 0 : i32
      %dma_start3A_365 = tpu.memref_slice %arg25[%add3A_196, %dma_start3A_363, %dma_start3A_364] : memref<20x4096x32xf32, #tpu.memory_space<hbm>> -> memref<1x4096x32xf32, #tpu.memory_space<hbm>>
      %dma_start3A_366 = tpu.memref_squeeze %dma_start3A_365 : memref<1x4096x32xf32, #tpu.memory_space<hbm>> -> memref<4096x32xf32, #tpu.memory_space<hbm>>
      %dma_start3A_367 = arith.constant 0 : i32
      %dma_start3A_368 = tpu.memref_slice %dma_start3A_366[%mul3A_2, %dma_start3A_367] : memref<4096x32xf32, #tpu.memory_space<hbm>> -> memref<128x32xf32, #tpu.memory_space<hbm>>
      tpu.enqueue_dma source(%arg35 : memref<128x32xf32, #tpu.memory_space<vmem>>) target(%dma_start3A_368 : memref<128x32xf32, #tpu.memory_space<hbm>>) target_semaphore(%arg46 : memref<!tpu.dma_semaphore, #tpu.memory_space<semaphore_mem>>)
      %dma_wait3A_369 = arith.constant 0 : i32
      %dma_wait3A_370 = tpu.memref_slice %arg27[%add3A_200, %dma_wait3A_369] : memref<20x128xi32, #tpu.memory_space<vmem>> -> memref<1x128xi32, #tpu.memory_space<vmem>>
      %dma_wait3A_371 = tpu.memref_squeeze %dma_wait3A_370 : memref<1x128xi32, #tpu.memory_space<vmem>> -> memref<128xi32, #tpu.memory_space<vmem>>
      %dma_wait3A_372 = arith.constant 0 : i32
      %dma_wait3A_373 = arith.constant 0 : i32
      %dma_wait3A_374 = tpu.memref_slice %arg14[%dma_wait3A_372, %dma_wait3A_373] : memref<1000000x32xf32, #tpu.memory_space<hbm>> -> memref<1000000x32xf32, #tpu.memory_space<hbm>>
      tpu.wait_indirect_dma semaphore(%arg44 : memref<!tpu.dma_semaphore, #tpu.memory_space<semaphore_mem>>) src(%dma_wait3A_374 : memref<1000000x32xf32, #tpu.memory_space<hbm>>) dst(%arg36 : memref<128x32xf32, #tpu.memory_space<vmem>>)
      %dma_start3A_375 = arith.constant 0 : i32
      %dma_start3A_376 = arith.constant 0 : i32
      %dma_start3A_377 = tpu.memref_slice %arg24[%add3A_204, %dma_start3A_375, %dma_start3A_376] : memref<20x4096x32xf32, #tpu.memory_space<hbm>> -> memref<1x4096x32xf32, #tpu.memory_space<hbm>>
      %dma_start3A_378 = tpu.memref_squeeze %dma_start3A_377 : memref<1x4096x32xf32, #tpu.memory_space<hbm>> -> memref<4096x32xf32, #tpu.memory_space<hbm>>
      %dma_start3A_379 = arith.constant 0 : i32
      %dma_start3A_380 = tpu.memref_slice %dma_start3A_378[%mul3A_2, %dma_start3A_379] : memref<4096x32xf32, #tpu.memory_space<hbm>> -> memref<128x32xf32, #tpu.memory_space<hbm>>
      %dma_start3A_381 = arith.constant 0 : i32
      %dma_start3A_382 = arith.constant 0 : i32
      %dma_start3A_383 = tpu.memref_slice %arg24[%add3A_204, %dma_start3A_381, %dma_start3A_382] : memref<20x4096x32xf32, #tpu.memory_space<hbm>> -> memref<1x4096x32xf32, #tpu.memory_space<hbm>>
      %dma_start3A_384 = tpu.memref_squeeze %dma_start3A_383 : memref<1x4096x32xf32, #tpu.memory_space<hbm>> -> memref<4096x32xf32, #tpu.memory_space<hbm>>
      %dma_start3A_385 = arith.constant 0 : i32
      %dma_start3A_386 = tpu.memref_slice %dma_start3A_384[%mul3A_2, %dma_start3A_385] : memref<4096x32xf32, #tpu.memory_space<hbm>> -> memref<128x32xf32, #tpu.memory_space<hbm>>
      tpu.enqueue_dma source(%arg36 : memref<128x32xf32, #tpu.memory_space<vmem>>) target(%dma_start3A_386 : memref<128x32xf32, #tpu.memory_space<hbm>>) target_semaphore(%arg46 : memref<!tpu.dma_semaphore, #tpu.memory_space<semaphore_mem>>)
      %dma_wait3A_387 = arith.constant 0 : i32
      %dma_wait3A_388 = tpu.memref_slice %arg27[%add3A_208, %dma_wait3A_387] : memref<20x128xi32, #tpu.memory_space<vmem>> -> memref<1x128xi32, #tpu.memory_space<vmem>>
      %dma_wait3A_389 = tpu.memref_squeeze %dma_wait3A_388 : memref<1x128xi32, #tpu.memory_space<vmem>> -> memref<128xi32, #tpu.memory_space<vmem>>
      %dma_wait3A_390 = arith.constant 0 : i32
      %dma_wait3A_391 = arith.constant 0 : i32
      %dma_wait3A_392 = tpu.memref_slice %arg15[%dma_wait3A_390, %dma_wait3A_391] : memref<1000000x32xf32, #tpu.memory_space<hbm>> -> memref<1000000x32xf32, #tpu.memory_space<hbm>>
      tpu.wait_indirect_dma semaphore(%arg45 : memref<!tpu.dma_semaphore, #tpu.memory_space<semaphore_mem>>) src(%dma_wait3A_392 : memref<1000000x32xf32, #tpu.memory_space<hbm>>) dst(%arg37 : memref<128x32xf32, #tpu.memory_space<vmem>>)
      %dma_start3A_393 = arith.constant 0 : i32
      %dma_start3A_394 = arith.constant 0 : i32
      %dma_start3A_395 = tpu.memref_slice %arg25[%add3A_212, %dma_start3A_393, %dma_start3A_394] : memref<20x4096x32xf32, #tpu.memory_space<hbm>> -> memref<1x4096x32xf32, #tpu.memory_space<hbm>>
      %dma_start3A_396 = tpu.memref_squeeze %dma_start3A_395 : memref<1x4096x32xf32, #tpu.memory_space<hbm>> -> memref<4096x32xf32, #tpu.memory_space<hbm>>
      %dma_start3A_397 = arith.constant 0 : i32
      %dma_start3A_398 = tpu.memref_slice %dma_start3A_396[%mul3A_2, %dma_start3A_397] : memref<4096x32xf32, #tpu.memory_space<hbm>> -> memref<128x32xf32, #tpu.memory_space<hbm>>
      %dma_start3A_399 = arith.constant 0 : i32
      %dma_start3A_400 = arith.constant 0 : i32
      %dma_start3A_401 = tpu.memref_slice %arg25[%add3A_212, %dma_start3A_399, %dma_start3A_400] : memref<20x4096x32xf32, #tpu.memory_space<hbm>> -> memref<1x4096x32xf32, #tpu.memory_space<hbm>>
      %dma_start3A_402 = tpu.memref_squeeze %dma_start3A_401 : memref<1x4096x32xf32, #tpu.memory_space<hbm>> -> memref<4096x32xf32, #tpu.memory_space<hbm>>
      %dma_start3A_403 = arith.constant 0 : i32
      %dma_start3A_404 = tpu.memref_slice %dma_start3A_402[%mul3A_2, %dma_start3A_403] : memref<4096x32xf32, #tpu.memory_space<hbm>> -> memref<128x32xf32, #tpu.memory_space<hbm>>
      tpu.enqueue_dma source(%arg37 : memref<128x32xf32, #tpu.memory_space<vmem>>) target(%dma_start3A_404 : memref<128x32xf32, #tpu.memory_space<hbm>>) target_semaphore(%arg46 : memref<!tpu.dma_semaphore, #tpu.memory_space<semaphore_mem>>)
      %dma_wait3A_405 = arith.constant 0 : i32
      %dma_wait3A_406 = arith.constant 0 : i32
      %dma_wait3A_407 = tpu.memref_slice %arg24[%add3A_156, %dma_wait3A_405, %dma_wait3A_406] : memref<20x4096x32xf32, #tpu.memory_space<hbm>> -> memref<1x4096x32xf32, #tpu.memory_space<hbm>>
      %dma_wait3A_408 = tpu.memref_squeeze %dma_wait3A_407 : memref<1x4096x32xf32, #tpu.memory_space<hbm>> -> memref<4096x32xf32, #tpu.memory_space<hbm>>
      %dma_wait3A_409 = arith.constant 0 : i32
      %dma_wait3A_410 = tpu.memref_slice %dma_wait3A_408[%mul3A_2, %dma_wait3A_409] : memref<4096x32xf32, #tpu.memory_space<hbm>> -> memref<128x32xf32, #tpu.memory_space<hbm>>
      %dma_wait3A_411 = arith.constant 0 : i32
      %dma_wait3A_412 = arith.constant 0 : i32
      %dma_wait3A_413 = tpu.memref_slice %arg24[%add3A_156, %dma_wait3A_411, %dma_wait3A_412] : memref<20x4096x32xf32, #tpu.memory_space<hbm>> -> memref<1x4096x32xf32, #tpu.memory_space<hbm>>
      %dma_wait3A_414 = tpu.memref_squeeze %dma_wait3A_413 : memref<1x4096x32xf32, #tpu.memory_space<hbm>> -> memref<4096x32xf32, #tpu.memory_space<hbm>>
      %dma_wait3A_415 = arith.constant 0 : i32
      %dma_wait3A_416 = tpu.memref_slice %dma_wait3A_414[%mul3A_2, %dma_wait3A_415] : memref<4096x32xf32, #tpu.memory_space<hbm>> -> memref<128x32xf32, #tpu.memory_space<hbm>>
      tpu.wait_dma2 semaphore(%arg46 : memref<!tpu.dma_semaphore, #tpu.memory_space<semaphore_mem>>) src(%arg30 : memref<128x32xf32, #tpu.memory_space<vmem>>) dst(%dma_wait3A_416 : memref<128x32xf32, #tpu.memory_space<hbm>>)
      %dma_wait3A_417 = arith.constant 0 : i32
      %dma_wait3A_418 = arith.constant 0 : i32
      %dma_wait3A_419 = tpu.memref_slice %arg25[%add3A_164, %dma_wait3A_417, %dma_wait3A_418] : memref<20x4096x32xf32, #tpu.memory_space<hbm>> -> memref<1x4096x32xf32, #tpu.memory_space<hbm>>
      %dma_wait3A_420 = tpu.memref_squeeze %dma_wait3A_419 : memref<1x4096x32xf32, #tpu.memory_space<hbm>> -> memref<4096x32xf32, #tpu.memory_space<hbm>>
      %dma_wait3A_421 = arith.constant 0 : i32
      %dma_wait3A_422 = tpu.memref_slice %dma_wait3A_420[%mul3A_2, %dma_wait3A_421] : memref<4096x32xf32, #tpu.memory_space<hbm>> -> memref<128x32xf32, #tpu.memory_space<hbm>>
      %dma_wait3A_423 = arith.constant 0 : i32
      %dma_wait3A_424 = arith.constant 0 : i32
      %dma_wait3A_425 = tpu.memref_slice %arg25[%add3A_164, %dma_wait3A_423, %dma_wait3A_424] : memref<20x4096x32xf32, #tpu.memory_space<hbm>> -> memref<1x4096x32xf32, #tpu.memory_space<hbm>>
      %dma_wait3A_426 = tpu.memref_squeeze %dma_wait3A_425 : memref<1x4096x32xf32, #tpu.memory_space<hbm>> -> memref<4096x32xf32, #tpu.memory_space<hbm>>
      %dma_wait3A_427 = arith.constant 0 : i32
      %dma_wait3A_428 = tpu.memref_slice %dma_wait3A_426[%mul3A_2, %dma_wait3A_427] : memref<4096x32xf32, #tpu.memory_space<hbm>> -> memref<128x32xf32, #tpu.memory_space<hbm>>
      tpu.wait_dma2 semaphore(%arg46 : memref<!tpu.dma_semaphore, #tpu.memory_space<semaphore_mem>>) src(%arg31 : memref<128x32xf32, #tpu.memory_space<vmem>>) dst(%dma_wait3A_428 : memref<128x32xf32, #tpu.memory_space<hbm>>)
      %dma_wait3A_429 = arith.constant 0 : i32
      %dma_wait3A_430 = arith.constant 0 : i32
      %dma_wait3A_431 = tpu.memref_slice %arg24[%add3A_172, %dma_wait3A_429, %dma_wait3A_430] : memref<20x4096x32xf32, #tpu.memory_space<hbm>> -> memref<1x4096x32xf32, #tpu.memory_space<hbm>>
      %dma_wait3A_432 = tpu.memref_squeeze %dma_wait3A_431 : memref<1x4096x32xf32, #tpu.memory_space<hbm>> -> memref<4096x32xf32, #tpu.memory_space<hbm>>
      %dma_wait3A_433 = arith.constant 0 : i32
      %dma_wait3A_434 = tpu.memref_slice %dma_wait3A_432[%mul3A_2, %dma_wait3A_433] : memref<4096x32xf32, #tpu.memory_space<hbm>> -> memref<128x32xf32, #tpu.memory_space<hbm>>
      %dma_wait3A_435 = arith.constant 0 : i32
      %dma_wait3A_436 = arith.constant 0 : i32
      %dma_wait3A_437 = tpu.memref_slice %arg24[%add3A_172, %dma_wait3A_435, %dma_wait3A_436] : memref<20x4096x32xf32, #tpu.memory_space<hbm>> -> memref<1x4096x32xf32, #tpu.memory_space<hbm>>
      %dma_wait3A_438 = tpu.memref_squeeze %dma_wait3A_437 : memref<1x4096x32xf32, #tpu.memory_space<hbm>> -> memref<4096x32xf32, #tpu.memory_space<hbm>>
      %dma_wait3A_439 = arith.constant 0 : i32
      %dma_wait3A_440 = tpu.memref_slice %dma_wait3A_438[%mul3A_2, %dma_wait3A_439] : memref<4096x32xf32, #tpu.memory_space<hbm>> -> memref<128x32xf32, #tpu.memory_space<hbm>>
      tpu.wait_dma2 semaphore(%arg46 : memref<!tpu.dma_semaphore, #tpu.memory_space<semaphore_mem>>) src(%arg32 : memref<128x32xf32, #tpu.memory_space<vmem>>) dst(%dma_wait3A_440 : memref<128x32xf32, #tpu.memory_space<hbm>>)
      %dma_wait3A_441 = arith.constant 0 : i32
      %dma_wait3A_442 = arith.constant 0 : i32
      %dma_wait3A_443 = tpu.memref_slice %arg25[%add3A_180, %dma_wait3A_441, %dma_wait3A_442] : memref<20x4096x32xf32, #tpu.memory_space<hbm>> -> memref<1x4096x32xf32, #tpu.memory_space<hbm>>
      %dma_wait3A_444 = tpu.memref_squeeze %dma_wait3A_443 : memref<1x4096x32xf32, #tpu.memory_space<hbm>> -> memref<4096x32xf32, #tpu.memory_space<hbm>>
      %dma_wait3A_445 = arith.constant 0 : i32
      %dma_wait3A_446 = tpu.memref_slice %dma_wait3A_444[%mul3A_2, %dma_wait3A_445] : memref<4096x32xf32, #tpu.memory_space<hbm>> -> memref<128x32xf32, #tpu.memory_space<hbm>>
      %dma_wait3A_447 = arith.constant 0 : i32
      %dma_wait3A_448 = arith.constant 0 : i32
      %dma_wait3A_449 = tpu.memref_slice %arg25[%add3A_180, %dma_wait3A_447, %dma_wait3A_448] : memref<20x4096x32xf32, #tpu.memory_space<hbm>> -> memref<1x4096x32xf32, #tpu.memory_space<hbm>>
      %dma_wait3A_450 = tpu.memref_squeeze %dma_wait3A_449 : memref<1x4096x32xf32, #tpu.memory_space<hbm>> -> memref<4096x32xf32, #tpu.memory_space<hbm>>
      %dma_wait3A_451 = arith.constant 0 : i32
      %dma_wait3A_452 = tpu.memref_slice %dma_wait3A_450[%mul3A_2, %dma_wait3A_451] : memref<4096x32xf32, #tpu.memory_space<hbm>> -> memref<128x32xf32, #tpu.memory_space<hbm>>
      tpu.wait_dma2 semaphore(%arg46 : memref<!tpu.dma_semaphore, #tpu.memory_space<semaphore_mem>>) src(%arg33 : memref<128x32xf32, #tpu.memory_space<vmem>>) dst(%dma_wait3A_452 : memref<128x32xf32, #tpu.memory_space<hbm>>)
      %dma_wait3A_453 = arith.constant 0 : i32
      %dma_wait3A_454 = arith.constant 0 : i32
      %dma_wait3A_455 = tpu.memref_slice %arg24[%add3A_188, %dma_wait3A_453, %dma_wait3A_454] : memref<20x4096x32xf32, #tpu.memory_space<hbm>> -> memref<1x4096x32xf32, #tpu.memory_space<hbm>>
      %dma_wait3A_456 = tpu.memref_squeeze %dma_wait3A_455 : memref<1x4096x32xf32, #tpu.memory_space<hbm>> -> memref<4096x32xf32, #tpu.memory_space<hbm>>
      %dma_wait3A_457 = arith.constant 0 : i32
      %dma_wait3A_458 = tpu.memref_slice %dma_wait3A_456[%mul3A_2, %dma_wait3A_457] : memref<4096x32xf32, #tpu.memory_space<hbm>> -> memref<128x32xf32, #tpu.memory_space<hbm>>
      %dma_wait3A_459 = arith.constant 0 : i32
      %dma_wait3A_460 = arith.constant 0 : i32
      %dma_wait3A_461 = tpu.memref_slice %arg24[%add3A_188, %dma_wait3A_459, %dma_wait3A_460] : memref<20x4096x32xf32, #tpu.memory_space<hbm>> -> memref<1x4096x32xf32, #tpu.memory_space<hbm>>
      %dma_wait3A_462 = tpu.memref_squeeze %dma_wait3A_461 : memref<1x4096x32xf32, #tpu.memory_space<hbm>> -> memref<4096x32xf32, #tpu.memory_space<hbm>>
      %dma_wait3A_463 = arith.constant 0 : i32
      %dma_wait3A_464 = tpu.memref_slice %dma_wait3A_462[%mul3A_2, %dma_wait3A_463] : memref<4096x32xf32, #tpu.memory_space<hbm>> -> memref<128x32xf32, #tpu.memory_space<hbm>>
      tpu.wait_dma2 semaphore(%arg46 : memref<!tpu.dma_semaphore, #tpu.memory_space<semaphore_mem>>) src(%arg34 : memref<128x32xf32, #tpu.memory_space<vmem>>) dst(%dma_wait3A_464 : memref<128x32xf32, #tpu.memory_space<hbm>>)
      %dma_wait3A_465 = arith.constant 0 : i32
      %dma_wait3A_466 = arith.constant 0 : i32
      %dma_wait3A_467 = tpu.memref_slice %arg25[%add3A_196, %dma_wait3A_465, %dma_wait3A_466] : memref<20x4096x32xf32, #tpu.memory_space<hbm>> -> memref<1x4096x32xf32, #tpu.memory_space<hbm>>
      %dma_wait3A_468 = tpu.memref_squeeze %dma_wait3A_467 : memref<1x4096x32xf32, #tpu.memory_space<hbm>> -> memref<4096x32xf32, #tpu.memory_space<hbm>>
      %dma_wait3A_469 = arith.constant 0 : i32
      %dma_wait3A_470 = tpu.memref_slice %dma_wait3A_468[%mul3A_2, %dma_wait3A_469] : memref<4096x32xf32, #tpu.memory_space<hbm>> -> memref<128x32xf32, #tpu.memory_space<hbm>>
      %dma_wait3A_471 = arith.constant 0 : i32
      %dma_wait3A_472 = arith.constant 0 : i32
      %dma_wait3A_473 = tpu.memref_slice %arg25[%add3A_196, %dma_wait3A_471, %dma_wait3A_472] : memref<20x4096x32xf32, #tpu.memory_space<hbm>> -> memref<1x4096x32xf32, #tpu.memory_space<hbm>>
      %dma_wait3A_474 = tpu.memref_squeeze %dma_wait3A_473 : memref<1x4096x32xf32, #tpu.memory_space<hbm>> -> memref<4096x32xf32, #tpu.memory_space<hbm>>
      %dma_wait3A_475 = arith.constant 0 : i32
      %dma_wait3A_476 = tpu.memref_slice %dma_wait3A_474[%mul3A_2, %dma_wait3A_475] : memref<4096x32xf32, #tpu.memory_space<hbm>> -> memref<128x32xf32, #tpu.memory_space<hbm>>
      tpu.wait_dma2 semaphore(%arg46 : memref<!tpu.dma_semaphore, #tpu.memory_space<semaphore_mem>>) src(%arg35 : memref<128x32xf32, #tpu.memory_space<vmem>>) dst(%dma_wait3A_476 : memref<128x32xf32, #tpu.memory_space<hbm>>)
      %dma_wait3A_477 = arith.constant 0 : i32
      %dma_wait3A_478 = arith.constant 0 : i32
      %dma_wait3A_479 = tpu.memref_slice %arg24[%add3A_204, %dma_wait3A_477, %dma_wait3A_478] : memref<20x4096x32xf32, #tpu.memory_space<hbm>> -> memref<1x4096x32xf32, #tpu.memory_space<hbm>>
      %dma_wait3A_480 = tpu.memref_squeeze %dma_wait3A_479 : memref<1x4096x32xf32, #tpu.memory_space<hbm>> -> memref<4096x32xf32, #tpu.memory_space<hbm>>
      %dma_wait3A_481 = arith.constant 0 : i32
      %dma_wait3A_482 = tpu.memref_slice %dma_wait3A_480[%mul3A_2, %dma_wait3A_481] : memref<4096x32xf32, #tpu.memory_space<hbm>> -> memref<128x32xf32, #tpu.memory_space<hbm>>
      %dma_wait3A_483 = arith.constant 0 : i32
      %dma_wait3A_484 = arith.constant 0 : i32
      %dma_wait3A_485 = tpu.memref_slice %arg24[%add3A_204, %dma_wait3A_483, %dma_wait3A_484] : memref<20x4096x32xf32, #tpu.memory_space<hbm>> -> memref<1x4096x32xf32, #tpu.memory_space<hbm>>
      %dma_wait3A_486 = tpu.memref_squeeze %dma_wait3A_485 : memref<1x4096x32xf32, #tpu.memory_space<hbm>> -> memref<4096x32xf32, #tpu.memory_space<hbm>>
      %dma_wait3A_487 = arith.constant 0 : i32
      %dma_wait3A_488 = tpu.memref_slice %dma_wait3A_486[%mul3A_2, %dma_wait3A_487] : memref<4096x32xf32, #tpu.memory_space<hbm>> -> memref<128x32xf32, #tpu.memory_space<hbm>>
      tpu.wait_dma2 semaphore(%arg46 : memref<!tpu.dma_semaphore, #tpu.memory_space<semaphore_mem>>) src(%arg36 : memref<128x32xf32, #tpu.memory_space<vmem>>) dst(%dma_wait3A_488 : memref<128x32xf32, #tpu.memory_space<hbm>>)
      %dma_wait3A_489 = arith.constant 0 : i32
      %dma_wait3A_490 = arith.constant 0 : i32
      %dma_wait3A_491 = tpu.memref_slice %arg25[%add3A_212, %dma_wait3A_489, %dma_wait3A_490] : memref<20x4096x32xf32, #tpu.memory_space<hbm>> -> memref<1x4096x32xf32, #tpu.memory_space<hbm>>
      %dma_wait3A_492 = tpu.memref_squeeze %dma_wait3A_491 : memref<1x4096x32xf32, #tpu.memory_space<hbm>> -> memref<4096x32xf32, #tpu.memory_space<hbm>>
      %dma_wait3A_493 = arith.constant 0 : i32
      %dma_wait3A_494 = tpu.memref_slice %dma_wait3A_492[%mul3A_2, %dma_wait3A_493] : memref<4096x32xf32, #tpu.memory_space<hbm>> -> memref<128x32xf32, #tpu.memory_space<hbm>>
      %dma_wait3A_495 = arith.constant 0 : i32
      %dma_wait3A_496 = arith.constant 0 : i32
      %dma_wait3A_497 = tpu.memref_slice %arg25[%add3A_212, %dma_wait3A_495, %dma_wait3A_496] : memref<20x4096x32xf32, #tpu.memory_space<hbm>> -> memref<1x4096x32xf32, #tpu.memory_space<hbm>>
      %dma_wait3A_498 = tpu.memref_squeeze %dma_wait3A_497 : memref<1x4096x32xf32, #tpu.memory_space<hbm>> -> memref<4096x32xf32, #tpu.memory_space<hbm>>
      %dma_wait3A_499 = arith.constant 0 : i32
      %dma_wait3A_500 = tpu.memref_slice %dma_wait3A_498[%mul3A_2, %dma_wait3A_499] : memref<4096x32xf32, #tpu.memory_space<hbm>> -> memref<128x32xf32, #tpu.memory_space<hbm>>
      tpu.wait_dma2 semaphore(%arg46 : memref<!tpu.dma_semaphore, #tpu.memory_space<semaphore_mem>>) src(%arg37 : memref<128x32xf32, #tpu.memory_space<vmem>>) dst(%dma_wait3A_500 : memref<128x32xf32, #tpu.memory_space<hbm>>)
    }
    %scan3A_141 = arith.constant 5 : i32
    %scan3A_142 = arith.constant 0 : i32
    %scan3A_143 = arith.constant 0 : i32
    %scan3A_144 = arith.constant 50 : i32
    %scan3A_145 = arith.addi %scan3A_143, %scan3A_144 : i32
    %scan3A_146 = arith.constant 1 : i32
    scf.for %scan3A_148 = %scan3A_143 to %scan3A_145 step %scan3A_146  : i32 {
      %mul3A_149 = arith.constant 4 : i32
      %mul3A_150 = arith.muli %mul3A_149, %scan3A_148 : i32
      %add3A_151 = arith.constant 0 : i32
      %add3A_152 = arith.addi %mul3A_150, %add3A_151 : i32
      %mul3A_153 = arith.constant 4 : i32
      %mul3A_154 = arith.muli %mul3A_153, %scan3A_148 : i32
      %add3A_155 = arith.constant 0 : i32
      %add3A_156 = arith.addi %mul3A_154, %add3A_155 : i32
      %mul3A_157 = arith.constant 4 : i32
      %mul3A_158 = arith.muli %mul3A_157, %scan3A_148 : i32
      %add3A_159 = arith.constant 0 : i32
      %add3A_160 = arith.addi %mul3A_158, %add3A_159 : i32
      %mul3A_161 = arith.constant 4 : i32
      %mul3A_162 = arith.muli %mul3A_161, %scan3A_148 : i32
      %add3A_163 = arith.constant 0 : i32
      %add3A_164 = arith.addi %mul3A_162, %add3A_163 : i32
      %mul3A_165 = arith.constant 4 : i32
      %mul3A_166 = arith.muli %mul3A_165, %scan3A_148 : i32
      %add3A_167 = arith.constant 1 : i32
      %add3A_168 = arith.addi %mul3A_166, %add3A_167 : i32
      %mul3A_169 = arith.constant 4 : i32
      %mul3A_170 = arith.muli %mul3A_169, %scan3A_148 : i32
      %add3A_171 = arith.constant 1 : i32
      %add3A_172 = arith.addi %mul3A_170, %add3A_171 : i32
      %mul3A_173 = arith.constant 4 : i32
      %mul3A_174 = arith.muli %mul3A_173, %scan3A_148 : i32
      %add3A_175 = arith.constant 1 : i32
      %add3A_176 = arith.addi %mul3A_174, %add3A_175 : i32
      %mul3A_177 = arith.constant 4 : i32
      %mul3A_178 = arith.muli %mul3A_177, %scan3A_148 : i32
      %add3A_179 = arith.constant 1 : i32
      %add3A_180 = arith.addi %mul3A_178, %add3A_179 : i32
      %mul3A_181 = arith.constant 4 : i32
      %mul3A_182 = arith.muli %mul3A_181, %scan3A_148 : i32
      %add3A_183 = arith.constant 2 : i32
      %add3A_184 = arith.addi %mul3A_182, %add3A_183 : i32
      %mul3A_185 = arith.constant 4 : i32
      %mul3A_186 = arith.muli %mul3A_185, %scan3A_148 : i32
      %add3A_187 = arith.constant 2 : i32
      %add3A_188 = arith.addi %mul3A_186, %add3A_187 : i32
      %mul3A_189 = arith.constant 4 : i32
      %mul3A_190 = arith.muli %mul3A_189, %scan3A_148 : i32
      %add3A_191 = arith.constant 2 : i32
      %add3A_192 = arith.addi %mul3A_190, %add3A_191 : i32
      %mul3A_193 = arith.constant 4 : i32
      %mul3A_194 = arith.muli %mul3A_193, %scan3A_148 : i32
      %add3A_195 = arith.constant 2 : i32
      %add3A_196 = arith.addi %mul3A_194, %add3A_195 : i32
      %mul3A_197 = arith.constant 4 : i32
      %mul3A_198 = arith.muli %mul3A_197, %scan3A_148 : i32
      %add3A_199 = arith.constant 3 : i32
      %add3A_200 = arith.addi %mul3A_198, %add3A_199 : i32
      %mul3A_201 = arith.constant 4 : i32
      %mul3A_202 = arith.muli %mul3A_201, %scan3A_148 : i32
      %add3A_203 = arith.constant 3 : i32
      %add3A_204 = arith.addi %mul3A_202, %add3A_203 : i32
      %mul3A_205 = arith.constant 4 : i32
      %mul3A_206 = arith.muli %mul3A_205, %scan3A_148 : i32
      %add3A_207 = arith.constant 3 : i32
      %add3A_208 = arith.addi %mul3A_206, %add3A_207 : i32
      %mul3A_209 = arith.constant 4 : i32
      %mul3A_210 = arith.muli %mul3A_209, %scan3A_148 : i32
      %add3A_211 = arith.constant 3 : i32
      %add3A_212 = arith.addi %mul3A_210, %add3A_211 : i32
      %dma_start3A_213 = arith.constant 0 : i32
      %dma_start3A_214 = tpu.memref_slice %arg28[%add3A_152, %dma_start3A_213] : memref<200x128xi32, #tpu.memory_space<vmem>> -> memref<1x128xi32, #tpu.memory_space<vmem>>
      %dma_start3A_215 = tpu.memref_squeeze %dma_start3A_214 : memref<1x128xi32, #tpu.memory_space<vmem>> -> memref<128xi32, #tpu.memory_space<vmem>>
      %dma_start3A_216 = arith.constant 0 : i32
      %dma_start3A_217 = arith.constant 0 : i32
      %dma_start3A_218 = tpu.memref_slice %arg12[%dma_start3A_216, %dma_start3A_217] : memref<1000000x32xf32, #tpu.memory_space<hbm>> -> memref<1000000x32xf32, #tpu.memory_space<hbm>>
      tpu.enqueue_indirect_dma source(%dma_start3A_218 : memref<1000000x32xf32, #tpu.memory_space<hbm>>) target(%arg30 : memref<128x32xf32, #tpu.memory_space<vmem>>) offsets(%dma_start3A_215 : memref<128xi32, #tpu.memory_space<vmem>>) semaphore(%arg38 : memref<!tpu.dma_semaphore, #tpu.memory_space<semaphore_mem>>)
      %dma_start3A_219 = arith.constant 0 : i32
      %dma_start3A_220 = tpu.memref_slice %arg29[%add3A_160, %dma_start3A_219] : memref<200x128xi32, #tpu.memory_space<vmem>> -> memref<1x128xi32, #tpu.memory_space<vmem>>
      %dma_start3A_221 = tpu.memref_squeeze %dma_start3A_220 : memref<1x128xi32, #tpu.memory_space<vmem>> -> memref<128xi32, #tpu.memory_space<vmem>>
      %dma_start3A_222 = arith.constant 0 : i32
      %dma_start3A_223 = arith.constant 0 : i32
      %dma_start3A_224 = tpu.memref_slice %arg13[%dma_start3A_222, %dma_start3A_223] : memref<10000x32xf32, #tpu.memory_space<hbm>> -> memref<10000x32xf32, #tpu.memory_space<hbm>>
      tpu.enqueue_indirect_dma source(%dma_start3A_224 : memref<10000x32xf32, #tpu.memory_space<hbm>>) target(%arg31 : memref<128x32xf32, #tpu.memory_space<vmem>>) offsets(%dma_start3A_221 : memref<128xi32, #tpu.memory_space<vmem>>) semaphore(%arg39 : memref<!tpu.dma_semaphore, #tpu.memory_space<semaphore_mem>>)
      %dma_start3A_225 = arith.constant 0 : i32
      %dma_start3A_226 = tpu.memref_slice %arg28[%add3A_168, %dma_start3A_225] : memref<200x128xi32, #tpu.memory_space<vmem>> -> memref<1x128xi32, #tpu.memory_space<vmem>>
      %dma_start3A_227 = tpu.memref_squeeze %dma_start3A_226 : memref<1x128xi32, #tpu.memory_space<vmem>> -> memref<128xi32, #tpu.memory_space<vmem>>
      %dma_start3A_228 = arith.constant 0 : i32
      %dma_start3A_229 = arith.constant 0 : i32
      %dma_start3A_230 = tpu.memref_slice %arg12[%dma_start3A_228, %dma_start3A_229] : memref<1000000x32xf32, #tpu.memory_space<hbm>> -> memref<1000000x32xf32, #tpu.memory_space<hbm>>
      tpu.enqueue_indirect_dma source(%dma_start3A_230 : memref<1000000x32xf32, #tpu.memory_space<hbm>>) target(%arg32 : memref<128x32xf32, #tpu.memory_space<vmem>>) offsets(%dma_start3A_227 : memref<128xi32, #tpu.memory_space<vmem>>) semaphore(%arg40 : memref<!tpu.dma_semaphore, #tpu.memory_space<semaphore_mem>>)
      %dma_start3A_231 = arith.constant 0 : i32
      %dma_start3A_232 = tpu.memref_slice %arg29[%add3A_176, %dma_start3A_231] : memref<200x128xi32, #tpu.memory_space<vmem>> -> memref<1x128xi32, #tpu.memory_space<vmem>>
      %dma_start3A_233 = tpu.memref_squeeze %dma_start3A_232 : memref<1x128xi32, #tpu.memory_space<vmem>> -> memref<128xi32, #tpu.memory_space<vmem>>
      %dma_start3A_234 = arith.constant 0 : i32
      %dma_start3A_235 = arith.constant 0 : i32
      %dma_start3A_236 = tpu.memref_slice %arg13[%dma_start3A_234, %dma_start3A_235] : memref<10000x32xf32, #tpu.memory_space<hbm>> -> memref<10000x32xf32, #tpu.memory_space<hbm>>
      tpu.enqueue_indirect_dma source(%dma_start3A_236 : memref<10000x32xf32, #tpu.memory_space<hbm>>) target(%arg33 : memref<128x32xf32, #tpu.memory_space<vmem>>) offsets(%dma_start3A_233 : memref<128xi32, #tpu.memory_space<vmem>>) semaphore(%arg41 : memref<!tpu.dma_semaphore, #tpu.memory_space<semaphore_mem>>)
      %dma_start3A_237 = arith.constant 0 : i32
      %dma_start3A_238 = tpu.memref_slice %arg28[%add3A_184, %dma_start3A_237] : memref<200x128xi32, #tpu.memory_space<vmem>> -> memref<1x128xi32, #tpu.memory_space<vmem>>
      %dma_start3A_239 = tpu.memref_squeeze %dma_start3A_238 : memref<1x128xi32, #tpu.memory_space<vmem>> -> memref<128xi32, #tpu.memory_space<vmem>>
      %dma_start3A_240 = arith.constant 0 : i32
      %dma_start3A_241 = arith.constant 0 : i32
      %dma_start3A_242 = tpu.memref_slice %arg12[%dma_start3A_240, %dma_start3A_241] : memref<1000000x32xf32, #tpu.memory_space<hbm>> -> memref<1000000x32xf32, #tpu.memory_space<hbm>>
      tpu.enqueue_indirect_dma source(%dma_start3A_242 : memref<1000000x32xf32, #tpu.memory_space<hbm>>) target(%arg34 : memref<128x32xf32, #tpu.memory_space<vmem>>) offsets(%dma_start3A_239 : memref<128xi32, #tpu.memory_space<vmem>>) semaphore(%arg42 : memref<!tpu.dma_semaphore, #tpu.memory_space<semaphore_mem>>)
      %dma_start3A_243 = arith.constant 0 : i32
      %dma_start3A_244 = tpu.memref_slice %arg29[%add3A_192, %dma_start3A_243] : memref<200x128xi32, #tpu.memory_space<vmem>> -> memref<1x128xi32, #tpu.memory_space<vmem>>
      %dma_start3A_245 = tpu.memref_squeeze %dma_start3A_244 : memref<1x128xi32, #tpu.memory_space<vmem>> -> memref<128xi32, #tpu.memory_space<vmem>>
      %dma_start3A_246 = arith.constant 0 : i32
      %dma_start3A_247 = arith.constant 0 : i32
      %dma_start3A_248 = tpu.memref_slice %arg13[%dma_start3A_246, %dma_start3A_247] : memref<10000x32xf32, #tpu.memory_space<hbm>> -> memref<10000x32xf32, #tpu.memory_space<hbm>>
      tpu.enqueue_indirect_dma source(%dma_start3A_248 : memref<10000x32xf32, #tpu.memory_space<hbm>>) target(%arg35 : memref<128x32xf32, #tpu.memory_space<vmem>>) offsets(%dma_start3A_245 : memref<128xi32, #tpu.memory_space<vmem>>) semaphore(%arg43 : memref<!tpu.dma_semaphore, #tpu.memory_space<semaphore_mem>>)
      %dma_start3A_249 = arith.constant 0 : i32
      %dma_start3A_250 = tpu.memref_slice %arg28[%add3A_200, %dma_start3A_249] : memref<200x128xi32, #tpu.memory_space<vmem>> -> memref<1x128xi32, #tpu.memory_space<vmem>>
      %dma_start3A_251 = tpu.memref_squeeze %dma_start3A_250 : memref<1x128xi32, #tpu.memory_space<vmem>> -> memref<128xi32, #tpu.memory_space<vmem>>
      %dma_start3A_252 = arith.constant 0 : i32
      %dma_start3A_253 = arith.constant 0 : i32
      %dma_start3A_254 = tpu.memref_slice %arg12[%dma_start3A_252, %dma_start3A_253] : memref<1000000x32xf32, #tpu.memory_space<hbm>> -> memref<1000000x32xf32, #tpu.memory_space<hbm>>
      tpu.enqueue_indirect_dma source(%dma_start3A_254 : memref<1000000x32xf32, #tpu.memory_space<hbm>>) target(%arg36 : memref<128x32xf32, #tpu.memory_space<vmem>>) offsets(%dma_start3A_251 : memref<128xi32, #tpu.memory_space<vmem>>) semaphore(%arg44 : memref<!tpu.dma_semaphore, #tpu.memory_space<semaphore_mem>>)
      %dma_start3A_255 = arith.constant 0 : i32
      %dma_start3A_256 = tpu.memref_slice %arg29[%add3A_208, %dma_start3A_255] : memref<200x128xi32, #tpu.memory_space<vmem>> -> memref<1x128xi32, #tpu.memory_space<vmem>>
      %dma_start3A_257 = tpu.memref_squeeze %dma_start3A_256 : memref<1x128xi32, #tpu.memory_space<vmem>> -> memref<128xi32, #tpu.memory_space<vmem>>
      %dma_start3A_258 = arith.constant 0 : i32
      %dma_start3A_259 = arith.constant 0 : i32
      %dma_start3A_260 = tpu.memref_slice %arg13[%dma_start3A_258, %dma_start3A_259] : memref<10000x32xf32, #tpu.memory_space<hbm>> -> memref<10000x32xf32, #tpu.memory_space<hbm>>
      tpu.enqueue_indirect_dma source(%dma_start3A_260 : memref<10000x32xf32, #tpu.memory_space<hbm>>) target(%arg37 : memref<128x32xf32, #tpu.memory_space<vmem>>) offsets(%dma_start3A_257 : memref<128xi32, #tpu.memory_space<vmem>>) semaphore(%arg45 : memref<!tpu.dma_semaphore, #tpu.memory_space<semaphore_mem>>)
      %dma_wait3A_261 = arith.constant 0 : i32
      %dma_wait3A_262 = tpu.memref_slice %arg28[%add3A_152, %dma_wait3A_261] : memref<200x128xi32, #tpu.memory_space<vmem>> -> memref<1x128xi32, #tpu.memory_space<vmem>>
      %dma_wait3A_263 = tpu.memref_squeeze %dma_wait3A_262 : memref<1x128xi32, #tpu.memory_space<vmem>> -> memref<128xi32, #tpu.memory_space<vmem>>
      %dma_wait3A_264 = arith.constant 0 : i32
      %dma_wait3A_265 = arith.constant 0 : i32
      %dma_wait3A_266 = tpu.memref_slice %arg12[%dma_wait3A_264, %dma_wait3A_265] : memref<1000000x32xf32, #tpu.memory_space<hbm>> -> memref<1000000x32xf32, #tpu.memory_space<hbm>>
      tpu.wait_indirect_dma semaphore(%arg38 : memref<!tpu.dma_semaphore, #tpu.memory_space<semaphore_mem>>) src(%dma_wait3A_266 : memref<1000000x32xf32, #tpu.memory_space<hbm>>) dst(%arg30 : memref<128x32xf32, #tpu.memory_space<vmem>>)
      %dma_start3A_267 = arith.constant 0 : i32
      %dma_start3A_268 = arith.constant 0 : i32
      %dma_start3A_269 = tpu.memref_slice %arg20[%add3A_156, %dma_start3A_267, %dma_start3A_268] : memref<200x4096x32xf32, #tpu.memory_space<hbm>> -> memref<1x4096x32xf32, #tpu.memory_space<hbm>>
      %dma_start3A_270 = tpu.memref_squeeze %dma_start3A_269 : memref<1x4096x32xf32, #tpu.memory_space<hbm>> -> memref<4096x32xf32, #tpu.memory_space<hbm>>
      %dma_start3A_271 = arith.constant 0 : i32
      %dma_start3A_272 = tpu.memref_slice %dma_start3A_270[%mul3A_2, %dma_start3A_271] : memref<4096x32xf32, #tpu.memory_space<hbm>> -> memref<128x32xf32, #tpu.memory_space<hbm>>
      %dma_start3A_273 = arith.constant 0 : i32
      %dma_start3A_274 = arith.constant 0 : i32
      %dma_start3A_275 = tpu.memref_slice %arg20[%add3A_156, %dma_start3A_273, %dma_start3A_274] : memref<200x4096x32xf32, #tpu.memory_space<hbm>> -> memref<1x4096x32xf32, #tpu.memory_space<hbm>>
      %dma_start3A_276 = tpu.memref_squeeze %dma_start3A_275 : memref<1x4096x32xf32, #tpu.memory_space<hbm>> -> memref<4096x32xf32, #tpu.memory_space<hbm>>
      %dma_start3A_277 = arith.constant 0 : i32
      %dma_start3A_278 = tpu.memref_slice %dma_start3A_276[%mul3A_2, %dma_start3A_277] : memref<4096x32xf32, #tpu.memory_space<hbm>> -> memref<128x32xf32, #tpu.memory_space<hbm>>
      tpu.enqueue_dma source(%arg30 : memref<128x32xf32, #tpu.memory_space<vmem>>) target(%dma_start3A_278 : memref<128x32xf32, #tpu.memory_space<hbm>>) target_semaphore(%arg46 : memref<!tpu.dma_semaphore, #tpu.memory_space<semaphore_mem>>)
      %dma_wait3A_279 = arith.constant 0 : i32
      %dma_wait3A_280 = tpu.memref_slice %arg29[%add3A_160, %dma_wait3A_279] : memref<200x128xi32, #tpu.memory_space<vmem>> -> memref<1x128xi32, #tpu.memory_space<vmem>>
      %dma_wait3A_281 = tpu.memref_squeeze %dma_wait3A_280 : memref<1x128xi32, #tpu.memory_space<vmem>> -> memref<128xi32, #tpu.memory_space<vmem>>
      %dma_wait3A_282 = arith.constant 0 : i32
      %dma_wait3A_283 = arith.constant 0 : i32
      %dma_wait3A_284 = tpu.memref_slice %arg13[%dma_wait3A_282, %dma_wait3A_283] : memref<10000x32xf32, #tpu.memory_space<hbm>> -> memref<10000x32xf32, #tpu.memory_space<hbm>>
      tpu.wait_indirect_dma semaphore(%arg39 : memref<!tpu.dma_semaphore, #tpu.memory_space<semaphore_mem>>) src(%dma_wait3A_284 : memref<10000x32xf32, #tpu.memory_space<hbm>>) dst(%arg31 : memref<128x32xf32, #tpu.memory_space<vmem>>)
      %dma_start3A_285 = arith.constant 0 : i32
      %dma_start3A_286 = arith.constant 0 : i32
      %dma_start3A_287 = tpu.memref_slice %arg21[%add3A_164, %dma_start3A_285, %dma_start3A_286] : memref<200x4096x32xf32, #tpu.memory_space<hbm>> -> memref<1x4096x32xf32, #tpu.memory_space<hbm>>
      %dma_start3A_288 = tpu.memref_squeeze %dma_start3A_287 : memref<1x4096x32xf32, #tpu.memory_space<hbm>> -> memref<4096x32xf32, #tpu.memory_space<hbm>>
      %dma_start3A_289 = arith.constant 0 : i32
      %dma_start3A_290 = tpu.memref_slice %dma_start3A_288[%mul3A_2, %dma_start3A_289] : memref<4096x32xf32, #tpu.memory_space<hbm>> -> memref<128x32xf32, #tpu.memory_space<hbm>>
      %dma_start3A_291 = arith.constant 0 : i32
      %dma_start3A_292 = arith.constant 0 : i32
      %dma_start3A_293 = tpu.memref_slice %arg21[%add3A_164, %dma_start3A_291, %dma_start3A_292] : memref<200x4096x32xf32, #tpu.memory_space<hbm>> -> memref<1x4096x32xf32, #tpu.memory_space<hbm>>
      %dma_start3A_294 = tpu.memref_squeeze %dma_start3A_293 : memref<1x4096x32xf32, #tpu.memory_space<hbm>> -> memref<4096x32xf32, #tpu.memory_space<hbm>>
      %dma_start3A_295 = arith.constant 0 : i32
      %dma_start3A_296 = tpu.memref_slice %dma_start3A_294[%mul3A_2, %dma_start3A_295] : memref<4096x32xf32, #tpu.memory_space<hbm>> -> memref<128x32xf32, #tpu.memory_space<hbm>>
      tpu.enqueue_dma source(%arg31 : memref<128x32xf32, #tpu.memory_space<vmem>>) target(%dma_start3A_296 : memref<128x32xf32, #tpu.memory_space<hbm>>) target_semaphore(%arg46 : memref<!tpu.dma_semaphore, #tpu.memory_space<semaphore_mem>>)
      %dma_wait3A_297 = arith.constant 0 : i32
      %dma_wait3A_298 = tpu.memref_slice %arg28[%add3A_168, %dma_wait3A_297] : memref<200x128xi32, #tpu.memory_space<vmem>> -> memref<1x128xi32, #tpu.memory_space<vmem>>
      %dma_wait3A_299 = tpu.memref_squeeze %dma_wait3A_298 : memref<1x128xi32, #tpu.memory_space<vmem>> -> memref<128xi32, #tpu.memory_space<vmem>>
      %dma_wait3A_300 = arith.constant 0 : i32
      %dma_wait3A_301 = arith.constant 0 : i32
      %dma_wait3A_302 = tpu.memref_slice %arg12[%dma_wait3A_300, %dma_wait3A_301] : memref<1000000x32xf32, #tpu.memory_space<hbm>> -> memref<1000000x32xf32, #tpu.memory_space<hbm>>
      tpu.wait_indirect_dma semaphore(%arg40 : memref<!tpu.dma_semaphore, #tpu.memory_space<semaphore_mem>>) src(%dma_wait3A_302 : memref<1000000x32xf32, #tpu.memory_space<hbm>>) dst(%arg32 : memref<128x32xf32, #tpu.memory_space<vmem>>)
      %dma_start3A_303 = arith.constant 0 : i32
      %dma_start3A_304 = arith.constant 0 : i32
      %dma_start3A_305 = tpu.memref_slice %arg20[%add3A_172, %dma_start3A_303, %dma_start3A_304] : memref<200x4096x32xf32, #tpu.memory_space<hbm>> -> memref<1x4096x32xf32, #tpu.memory_space<hbm>>
      %dma_start3A_306 = tpu.memref_squeeze %dma_start3A_305 : memref<1x4096x32xf32, #tpu.memory_space<hbm>> -> memref<4096x32xf32, #tpu.memory_space<hbm>>
      %dma_start3A_307 = arith.constant 0 : i32
      %dma_start3A_308 = tpu.memref_slice %dma_start3A_306[%mul3A_2, %dma_start3A_307] : memref<4096x32xf32, #tpu.memory_space<hbm>> -> memref<128x32xf32, #tpu.memory_space<hbm>>
      %dma_start3A_309 = arith.constant 0 : i32
      %dma_start3A_310 = arith.constant 0 : i32
      %dma_start3A_311 = tpu.memref_slice %arg20[%add3A_172, %dma_start3A_309, %dma_start3A_310] : memref<200x4096x32xf32, #tpu.memory_space<hbm>> -> memref<1x4096x32xf32, #tpu.memory_space<hbm>>
      %dma_start3A_312 = tpu.memref_squeeze %dma_start3A_311 : memref<1x4096x32xf32, #tpu.memory_space<hbm>> -> memref<4096x32xf32, #tpu.memory_space<hbm>>
      %dma_start3A_313 = arith.constant 0 : i32
      %dma_start3A_314 = tpu.memref_slice %dma_start3A_312[%mul3A_2, %dma_start3A_313] : memref<4096x32xf32, #tpu.memory_space<hbm>> -> memref<128x32xf32, #tpu.memory_space<hbm>>
      tpu.enqueue_dma source(%arg32 : memref<128x32xf32, #tpu.memory_space<vmem>>) target(%dma_start3A_314 : memref<128x32xf32, #tpu.memory_space<hbm>>) target_semaphore(%arg46 : memref<!tpu.dma_semaphore, #tpu.memory_space<semaphore_mem>>)
      %dma_wait3A_315 = arith.constant 0 : i32
      %dma_wait3A_316 = tpu.memref_slice %arg29[%add3A_176, %dma_wait3A_315] : memref<200x128xi32, #tpu.memory_space<vmem>> -> memref<1x128xi32, #tpu.memory_space<vmem>>
      %dma_wait3A_317 = tpu.memref_squeeze %dma_wait3A_316 : memref<1x128xi32, #tpu.memory_space<vmem>> -> memref<128xi32, #tpu.memory_space<vmem>>
      %dma_wait3A_318 = arith.constant 0 : i32
      %dma_wait3A_319 = arith.constant 0 : i32
      %dma_wait3A_320 = tpu.memref_slice %arg13[%dma_wait3A_318, %dma_wait3A_319] : memref<10000x32xf32, #tpu.memory_space<hbm>> -> memref<10000x32xf32, #tpu.memory_space<hbm>>
      tpu.wait_indirect_dma semaphore(%arg41 : memref<!tpu.dma_semaphore, #tpu.memory_space<semaphore_mem>>) src(%dma_wait3A_320 : memref<10000x32xf32, #tpu.memory_space<hbm>>) dst(%arg33 : memref<128x32xf32, #tpu.memory_space<vmem>>)
      %dma_start3A_321 = arith.constant 0 : i32
      %dma_start3A_322 = arith.constant 0 : i32
      %dma_start3A_323 = tpu.memref_slice %arg21[%add3A_180, %dma_start3A_321, %dma_start3A_322] : memref<200x4096x32xf32, #tpu.memory_space<hbm>> -> memref<1x4096x32xf32, #tpu.memory_space<hbm>>
      %dma_start3A_324 = tpu.memref_squeeze %dma_start3A_323 : memref<1x4096x32xf32, #tpu.memory_space<hbm>> -> memref<4096x32xf32, #tpu.memory_space<hbm>>
      %dma_start3A_325 = arith.constant 0 : i32
      %dma_start3A_326 = tpu.memref_slice %dma_start3A_324[%mul3A_2, %dma_start3A_325] : memref<4096x32xf32, #tpu.memory_space<hbm>> -> memref<128x32xf32, #tpu.memory_space<hbm>>
      %dma_start3A_327 = arith.constant 0 : i32
      %dma_start3A_328 = arith.constant 0 : i32
      %dma_start3A_329 = tpu.memref_slice %arg21[%add3A_180, %dma_start3A_327, %dma_start3A_328] : memref<200x4096x32xf32, #tpu.memory_space<hbm>> -> memref<1x4096x32xf32, #tpu.memory_space<hbm>>
      %dma_start3A_330 = tpu.memref_squeeze %dma_start3A_329 : memref<1x4096x32xf32, #tpu.memory_space<hbm>> -> memref<4096x32xf32, #tpu.memory_space<hbm>>
      %dma_start3A_331 = arith.constant 0 : i32
      %dma_start3A_332 = tpu.memref_slice %dma_start3A_330[%mul3A_2, %dma_start3A_331] : memref<4096x32xf32, #tpu.memory_space<hbm>> -> memref<128x32xf32, #tpu.memory_space<hbm>>
      tpu.enqueue_dma source(%arg33 : memref<128x32xf32, #tpu.memory_space<vmem>>) target(%dma_start3A_332 : memref<128x32xf32, #tpu.memory_space<hbm>>) target_semaphore(%arg46 : memref<!tpu.dma_semaphore, #tpu.memory_space<semaphore_mem>>)
      %dma_wait3A_333 = arith.constant 0 : i32
      %dma_wait3A_334 = tpu.memref_slice %arg28[%add3A_184, %dma_wait3A_333] : memref<200x128xi32, #tpu.memory_space<vmem>> -> memref<1x128xi32, #tpu.memory_space<vmem>>
      %dma_wait3A_335 = tpu.memref_squeeze %dma_wait3A_334 : memref<1x128xi32, #tpu.memory_space<vmem>> -> memref<128xi32, #tpu.memory_space<vmem>>
      %dma_wait3A_336 = arith.constant 0 : i32
      %dma_wait3A_337 = arith.constant 0 : i32
      %dma_wait3A_338 = tpu.memref_slice %arg12[%dma_wait3A_336, %dma_wait3A_337] : memref<1000000x32xf32, #tpu.memory_space<hbm>> -> memref<1000000x32xf32, #tpu.memory_space<hbm>>
      tpu.wait_indirect_dma semaphore(%arg42 : memref<!tpu.dma_semaphore, #tpu.memory_space<semaphore_mem>>) src(%dma_wait3A_338 : memref<1000000x32xf32, #tpu.memory_space<hbm>>) dst(%arg34 : memref<128x32xf32, #tpu.memory_space<vmem>>)
      %dma_start3A_339 = arith.constant 0 : i32
      %dma_start3A_340 = arith.constant 0 : i32
      %dma_start3A_341 = tpu.memref_slice %arg20[%add3A_188, %dma_start3A_339, %dma_start3A_340] : memref<200x4096x32xf32, #tpu.memory_space<hbm>> -> memref<1x4096x32xf32, #tpu.memory_space<hbm>>
      %dma_start3A_342 = tpu.memref_squeeze %dma_start3A_341 : memref<1x4096x32xf32, #tpu.memory_space<hbm>> -> memref<4096x32xf32, #tpu.memory_space<hbm>>
      %dma_start3A_343 = arith.constant 0 : i32
      %dma_start3A_344 = tpu.memref_slice %dma_start3A_342[%mul3A_2, %dma_start3A_343] : memref<4096x32xf32, #tpu.memory_space<hbm>> -> memref<128x32xf32, #tpu.memory_space<hbm>>
      %dma_start3A_345 = arith.constant 0 : i32
      %dma_start3A_346 = arith.constant 0 : i32
      %dma_start3A_347 = tpu.memref_slice %arg20[%add3A_188, %dma_start3A_345, %dma_start3A_346] : memref<200x4096x32xf32, #tpu.memory_space<hbm>> -> memref<1x4096x32xf32, #tpu.memory_space<hbm>>
      %dma_start3A_348 = tpu.memref_squeeze %dma_start3A_347 : memref<1x4096x32xf32, #tpu.memory_space<hbm>> -> memref<4096x32xf32, #tpu.memory_space<hbm>>
      %dma_start3A_349 = arith.constant 0 : i32
      %dma_start3A_350 = tpu.memref_slice %dma_start3A_348[%mul3A_2, %dma_start3A_349] : memref<4096x32xf32, #tpu.memory_space<hbm>> -> memref<128x32xf32, #tpu.memory_space<hbm>>
      tpu.enqueue_dma source(%arg34 : memref<128x32xf32, #tpu.memory_space<vmem>>) target(%dma_start3A_350 : memref<128x32xf32, #tpu.memory_space<hbm>>) target_semaphore(%arg46 : memref<!tpu.dma_semaphore, #tpu.memory_space<semaphore_mem>>)
      %dma_wait3A_351 = arith.constant 0 : i32
      %dma_wait3A_352 = tpu.memref_slice %arg29[%add3A_192, %dma_wait3A_351] : memref<200x128xi32, #tpu.memory_space<vmem>> -> memref<1x128xi32, #tpu.memory_space<vmem>>
      %dma_wait3A_353 = tpu.memref_squeeze %dma_wait3A_352 : memref<1x128xi32, #tpu.memory_space<vmem>> -> memref<128xi32, #tpu.memory_space<vmem>>
      %dma_wait3A_354 = arith.constant 0 : i32
      %dma_wait3A_355 = arith.constant 0 : i32
      %dma_wait3A_356 = tpu.memref_slice %arg13[%dma_wait3A_354, %dma_wait3A_355] : memref<10000x32xf32, #tpu.memory_space<hbm>> -> memref<10000x32xf32, #tpu.memory_space<hbm>>
      tpu.wait_indirect_dma semaphore(%arg43 : memref<!tpu.dma_semaphore, #tpu.memory_space<semaphore_mem>>) src(%dma_wait3A_356 : memref<10000x32xf32, #tpu.memory_space<hbm>>) dst(%arg35 : memref<128x32xf32, #tpu.memory_space<vmem>>)
      %dma_start3A_357 = arith.constant 0 : i32
      %dma_start3A_358 = arith.constant 0 : i32
      %dma_start3A_359 = tpu.memref_slice %arg21[%add3A_196, %dma_start3A_357, %dma_start3A_358] : memref<200x4096x32xf32, #tpu.memory_space<hbm>> -> memref<1x4096x32xf32, #tpu.memory_space<hbm>>
      %dma_start3A_360 = tpu.memref_squeeze %dma_start3A_359 : memref<1x4096x32xf32, #tpu.memory_space<hbm>> -> memref<4096x32xf32, #tpu.memory_space<hbm>>
      %dma_start3A_361 = arith.constant 0 : i32
      %dma_start3A_362 = tpu.memref_slice %dma_start3A_360[%mul3A_2, %dma_start3A_361] : memref<4096x32xf32, #tpu.memory_space<hbm>> -> memref<128x32xf32, #tpu.memory_space<hbm>>
      %dma_start3A_363 = arith.constant 0 : i32
      %dma_start3A_364 = arith.constant 0 : i32
      %dma_start3A_365 = tpu.memref_slice %arg21[%add3A_196, %dma_start3A_363, %dma_start3A_364] : memref<200x4096x32xf32, #tpu.memory_space<hbm>> -> memref<1x4096x32xf32, #tpu.memory_space<hbm>>
      %dma_start3A_366 = tpu.memref_squeeze %dma_start3A_365 : memref<1x4096x32xf32, #tpu.memory_space<hbm>> -> memref<4096x32xf32, #tpu.memory_space<hbm>>
      %dma_start3A_367 = arith.constant 0 : i32
      %dma_start3A_368 = tpu.memref_slice %dma_start3A_366[%mul3A_2, %dma_start3A_367] : memref<4096x32xf32, #tpu.memory_space<hbm>> -> memref<128x32xf32, #tpu.memory_space<hbm>>
      tpu.enqueue_dma source(%arg35 : memref<128x32xf32, #tpu.memory_space<vmem>>) target(%dma_start3A_368 : memref<128x32xf32, #tpu.memory_space<hbm>>) target_semaphore(%arg46 : memref<!tpu.dma_semaphore, #tpu.memory_space<semaphore_mem>>)
      %dma_wait3A_369 = arith.constant 0 : i32
      %dma_wait3A_370 = tpu.memref_slice %arg28[%add3A_200, %dma_wait3A_369] : memref<200x128xi32, #tpu.memory_space<vmem>> -> memref<1x128xi32, #tpu.memory_space<vmem>>
      %dma_wait3A_371 = tpu.memref_squeeze %dma_wait3A_370 : memref<1x128xi32, #tpu.memory_space<vmem>> -> memref<128xi32, #tpu.memory_space<vmem>>
      %dma_wait3A_372 = arith.constant 0 : i32
      %dma_wait3A_373 = arith.constant 0 : i32
      %dma_wait3A_374 = tpu.memref_slice %arg12[%dma_wait3A_372, %dma_wait3A_373] : memref<1000000x32xf32, #tpu.memory_space<hbm>> -> memref<1000000x32xf32, #tpu.memory_space<hbm>>
      tpu.wait_indirect_dma semaphore(%arg44 : memref<!tpu.dma_semaphore, #tpu.memory_space<semaphore_mem>>) src(%dma_wait3A_374 : memref<1000000x32xf32, #tpu.memory_space<hbm>>) dst(%arg36 : memref<128x32xf32, #tpu.memory_space<vmem>>)
      %dma_start3A_375 = arith.constant 0 : i32
      %dma_start3A_376 = arith.constant 0 : i32
      %dma_start3A_377 = tpu.memref_slice %arg20[%add3A_204, %dma_start3A_375, %dma_start3A_376] : memref<200x4096x32xf32, #tpu.memory_space<hbm>> -> memref<1x4096x32xf32, #tpu.memory_space<hbm>>
      %dma_start3A_378 = tpu.memref_squeeze %dma_start3A_377 : memref<1x4096x32xf32, #tpu.memory_space<hbm>> -> memref<4096x32xf32, #tpu.memory_space<hbm>>
      %dma_start3A_379 = arith.constant 0 : i32
      %dma_start3A_380 = tpu.memref_slice %dma_start3A_378[%mul3A_2, %dma_start3A_379] : memref<4096x32xf32, #tpu.memory_space<hbm>> -> memref<128x32xf32, #tpu.memory_space<hbm>>
      %dma_start3A_381 = arith.constant 0 : i32
      %dma_start3A_382 = arith.constant 0 : i32
      %dma_start3A_383 = tpu.memref_slice %arg20[%add3A_204, %dma_start3A_381, %dma_start3A_382] : memref<200x4096x32xf32, #tpu.memory_space<hbm>> -> memref<1x4096x32xf32, #tpu.memory_space<hbm>>
      %dma_start3A_384 = tpu.memref_squeeze %dma_start3A_383 : memref<1x4096x32xf32, #tpu.memory_space<hbm>> -> memref<4096x32xf32, #tpu.memory_space<hbm>>
      %dma_start3A_385 = arith.constant 0 : i32
      %dma_start3A_386 = tpu.memref_slice %dma_start3A_384[%mul3A_2, %dma_start3A_385] : memref<4096x32xf32, #tpu.memory_space<hbm>> -> memref<128x32xf32, #tpu.memory_space<hbm>>
      tpu.enqueue_dma source(%arg36 : memref<128x32xf32, #tpu.memory_space<vmem>>) target(%dma_start3A_386 : memref<128x32xf32, #tpu.memory_space<hbm>>) target_semaphore(%arg46 : memref<!tpu.dma_semaphore, #tpu.memory_space<semaphore_mem>>)
      %dma_wait3A_387 = arith.constant 0 : i32
      %dma_wait3A_388 = tpu.memref_slice %arg29[%add3A_208, %dma_wait3A_387] : memref<200x128xi32, #tpu.memory_space<vmem>> -> memref<1x128xi32, #tpu.memory_space<vmem>>
      %dma_wait3A_389 = tpu.memref_squeeze %dma_wait3A_388 : memref<1x128xi32, #tpu.memory_space<vmem>> -> memref<128xi32, #tpu.memory_space<vmem>>
      %dma_wait3A_390 = arith.constant 0 : i32
      %dma_wait3A_391 = arith.constant 0 : i32
      %dma_wait3A_392 = tpu.memref_slice %arg13[%dma_wait3A_390, %dma_wait3A_391] : memref<10000x32xf32, #tpu.memory_space<hbm>> -> memref<10000x32xf32, #tpu.memory_space<hbm>>
      tpu.wait_indirect_dma semaphore(%arg45 : memref<!tpu.dma_semaphore, #tpu.memory_space<semaphore_mem>>) src(%dma_wait3A_392 : memref<10000x32xf32, #tpu.memory_space<hbm>>) dst(%arg37 : memref<128x32xf32, #tpu.memory_space<vmem>>)
      %dma_start3A_393 = arith.constant 0 : i32
      %dma_start3A_394 = arith.constant 0 : i32
      %dma_start3A_395 = tpu.memref_slice %arg21[%add3A_212, %dma_start3A_393, %dma_start3A_394] : memref<200x4096x32xf32, #tpu.memory_space<hbm>> -> memref<1x4096x32xf32, #tpu.memory_space<hbm>>
      %dma_start3A_396 = tpu.memref_squeeze %dma_start3A_395 : memref<1x4096x32xf32, #tpu.memory_space<hbm>> -> memref<4096x32xf32, #tpu.memory_space<hbm>>
      %dma_start3A_397 = arith.constant 0 : i32
      %dma_start3A_398 = tpu.memref_slice %dma_start3A_396[%mul3A_2, %dma_start3A_397] : memref<4096x32xf32, #tpu.memory_space<hbm>> -> memref<128x32xf32, #tpu.memory_space<hbm>>
      %dma_start3A_399 = arith.constant 0 : i32
      %dma_start3A_400 = arith.constant 0 : i32
      %dma_start3A_401 = tpu.memref_slice %arg21[%add3A_212, %dma_start3A_399, %dma_start3A_400] : memref<200x4096x32xf32, #tpu.memory_space<hbm>> -> memref<1x4096x32xf32, #tpu.memory_space<hbm>>
      %dma_start3A_402 = tpu.memref_squeeze %dma_start3A_401 : memref<1x4096x32xf32, #tpu.memory_space<hbm>> -> memref<4096x32xf32, #tpu.memory_space<hbm>>
      %dma_start3A_403 = arith.constant 0 : i32
      %dma_start3A_404 = tpu.memref_slice %dma_start3A_402[%mul3A_2, %dma_start3A_403] : memref<4096x32xf32, #tpu.memory_space<hbm>> -> memref<128x32xf32, #tpu.memory_space<hbm>>
      tpu.enqueue_dma source(%arg37 : memref<128x32xf32, #tpu.memory_space<vmem>>) target(%dma_start3A_404 : memref<128x32xf32, #tpu.memory_space<hbm>>) target_semaphore(%arg46 : memref<!tpu.dma_semaphore, #tpu.memory_space<semaphore_mem>>)
      %dma_wait3A_405 = arith.constant 0 : i32
      %dma_wait3A_406 = arith.constant 0 : i32
      %dma_wait3A_407 = tpu.memref_slice %arg20[%add3A_156, %dma_wait3A_405, %dma_wait3A_406] : memref<200x4096x32xf32, #tpu.memory_space<hbm>> -> memref<1x4096x32xf32, #tpu.memory_space<hbm>>
      %dma_wait3A_408 = tpu.memref_squeeze %dma_wait3A_407 : memref<1x4096x32xf32, #tpu.memory_space<hbm>> -> memref<4096x32xf32, #tpu.memory_space<hbm>>
      %dma_wait3A_409 = arith.constant 0 : i32
      %dma_wait3A_410 = tpu.memref_slice %dma_wait3A_408[%mul3A_2, %dma_wait3A_409] : memref<4096x32xf32, #tpu.memory_space<hbm>> -> memref<128x32xf32, #tpu.memory_space<hbm>>
      %dma_wait3A_411 = arith.constant 0 : i32
      %dma_wait3A_412 = arith.constant 0 : i32
      %dma_wait3A_413 = tpu.memref_slice %arg20[%add3A_156, %dma_wait3A_411, %dma_wait3A_412] : memref<200x4096x32xf32, #tpu.memory_space<hbm>> -> memref<1x4096x32xf32, #tpu.memory_space<hbm>>
      %dma_wait3A_414 = tpu.memref_squeeze %dma_wait3A_413 : memref<1x4096x32xf32, #tpu.memory_space<hbm>> -> memref<4096x32xf32, #tpu.memory_space<hbm>>
      %dma_wait3A_415 = arith.constant 0 : i32
      %dma_wait3A_416 = tpu.memref_slice %dma_wait3A_414[%mul3A_2, %dma_wait3A_415] : memref<4096x32xf32, #tpu.memory_space<hbm>> -> memref<128x32xf32, #tpu.memory_space<hbm>>
      tpu.wait_dma2 semaphore(%arg46 : memref<!tpu.dma_semaphore, #tpu.memory_space<semaphore_mem>>) src(%arg30 : memref<128x32xf32, #tpu.memory_space<vmem>>) dst(%dma_wait3A_416 : memref<128x32xf32, #tpu.memory_space<hbm>>)
      %dma_wait3A_417 = arith.constant 0 : i32
      %dma_wait3A_418 = arith.constant 0 : i32
      %dma_wait3A_419 = tpu.memref_slice %arg21[%add3A_164, %dma_wait3A_417, %dma_wait3A_418] : memref<200x4096x32xf32, #tpu.memory_space<hbm>> -> memref<1x4096x32xf32, #tpu.memory_space<hbm>>
      %dma_wait3A_420 = tpu.memref_squeeze %dma_wait3A_419 : memref<1x4096x32xf32, #tpu.memory_space<hbm>> -> memref<4096x32xf32, #tpu.memory_space<hbm>>
      %dma_wait3A_421 = arith.constant 0 : i32
      %dma_wait3A_422 = tpu.memref_slice %dma_wait3A_420[%mul3A_2, %dma_wait3A_421] : memref<4096x32xf32, #tpu.memory_space<hbm>> -> memref<128x32xf32, #tpu.memory_space<hbm>>
      %dma_wait3A_423 = arith.constant 0 : i32
      %dma_wait3A_424 = arith.constant 0 : i32
      %dma_wait3A_425 = tpu.memref_slice %arg21[%add3A_164, %dma_wait3A_423, %dma_wait3A_424] : memref<200x4096x32xf32, #tpu.memory_space<hbm>> -> memref<1x4096x32xf32, #tpu.memory_space<hbm>>
      %dma_wait3A_426 = tpu.memref_squeeze %dma_wait3A_425 : memref<1x4096x32xf32, #tpu.memory_space<hbm>> -> memref<4096x32xf32, #tpu.memory_space<hbm>>
      %dma_wait3A_427 = arith.constant 0 : i32
      %dma_wait3A_428 = tpu.memref_slice %dma_wait3A_426[%mul3A_2, %dma_wait3A_427] : memref<4096x32xf32, #tpu.memory_space<hbm>> -> memref<128x32xf32, #tpu.memory_space<hbm>>
      tpu.wait_dma2 semaphore(%arg46 : memref<!tpu.dma_semaphore, #tpu.memory_space<semaphore_mem>>) src(%arg31 : memref<128x32xf32, #tpu.memory_space<vmem>>) dst(%dma_wait3A_428 : memref<128x32xf32, #tpu.memory_space<hbm>>)
      %dma_wait3A_429 = arith.constant 0 : i32
      %dma_wait3A_430 = arith.constant 0 : i32
      %dma_wait3A_431 = tpu.memref_slice %arg20[%add3A_172, %dma_wait3A_429, %dma_wait3A_430] : memref<200x4096x32xf32, #tpu.memory_space<hbm>> -> memref<1x4096x32xf32, #tpu.memory_space<hbm>>
      %dma_wait3A_432 = tpu.memref_squeeze %dma_wait3A_431 : memref<1x4096x32xf32, #tpu.memory_space<hbm>> -> memref<4096x32xf32, #tpu.memory_space<hbm>>
      %dma_wait3A_433 = arith.constant 0 : i32
      %dma_wait3A_434 = tpu.memref_slice %dma_wait3A_432[%mul3A_2, %dma_wait3A_433] : memref<4096x32xf32, #tpu.memory_space<hbm>> -> memref<128x32xf32, #tpu.memory_space<hbm>>
      %dma_wait3A_435 = arith.constant 0 : i32
      %dma_wait3A_436 = arith.constant 0 : i32
      %dma_wait3A_437 = tpu.memref_slice %arg20[%add3A_172, %dma_wait3A_435, %dma_wait3A_436] : memref<200x4096x32xf32, #tpu.memory_space<hbm>> -> memref<1x4096x32xf32, #tpu.memory_space<hbm>>
      %dma_wait3A_438 = tpu.memref_squeeze %dma_wait3A_437 : memref<1x4096x32xf32, #tpu.memory_space<hbm>> -> memref<4096x32xf32, #tpu.memory_space<hbm>>
      %dma_wait3A_439 = arith.constant 0 : i32
      %dma_wait3A_440 = tpu.memref_slice %dma_wait3A_438[%mul3A_2, %dma_wait3A_439] : memref<4096x32xf32, #tpu.memory_space<hbm>> -> memref<128x32xf32, #tpu.memory_space<hbm>>
      tpu.wait_dma2 semaphore(%arg46 : memref<!tpu.dma_semaphore, #tpu.memory_space<semaphore_mem>>) src(%arg32 : memref<128x32xf32, #tpu.memory_space<vmem>>) dst(%dma_wait3A_440 : memref<128x32xf32, #tpu.memory_space<hbm>>)
      %dma_wait3A_441 = arith.constant 0 : i32
      %dma_wait3A_442 = arith.constant 0 : i32
      %dma_wait3A_443 = tpu.memref_slice %arg21[%add3A_180, %dma_wait3A_441, %dma_wait3A_442] : memref<200x4096x32xf32, #tpu.memory_space<hbm>> -> memref<1x4096x32xf32, #tpu.memory_space<hbm>>
      %dma_wait3A_444 = tpu.memref_squeeze %dma_wait3A_443 : memref<1x4096x32xf32, #tpu.memory_space<hbm>> -> memref<4096x32xf32, #tpu.memory_space<hbm>>
      %dma_wait3A_445 = arith.constant 0 : i32
      %dma_wait3A_446 = tpu.memref_slice %dma_wait3A_444[%mul3A_2, %dma_wait3A_445] : memref<4096x32xf32, #tpu.memory_space<hbm>> -> memref<128x32xf32, #tpu.memory_space<hbm>>
      %dma_wait3A_447 = arith.constant 0 : i32
      %dma_wait3A_448 = arith.constant 0 : i32
      %dma_wait3A_449 = tpu.memref_slice %arg21[%add3A_180, %dma_wait3A_447, %dma_wait3A_448] : memref<200x4096x32xf32, #tpu.memory_space<hbm>> -> memref<1x4096x32xf32, #tpu.memory_space<hbm>>
      %dma_wait3A_450 = tpu.memref_squeeze %dma_wait3A_449 : memref<1x4096x32xf32, #tpu.memory_space<hbm>> -> memref<4096x32xf32, #tpu.memory_space<hbm>>
      %dma_wait3A_451 = arith.constant 0 : i32
      %dma_wait3A_452 = tpu.memref_slice %dma_wait3A_450[%mul3A_2, %dma_wait3A_451] : memref<4096x32xf32, #tpu.memory_space<hbm>> -> memref<128x32xf32, #tpu.memory_space<hbm>>
      tpu.wait_dma2 semaphore(%arg46 : memref<!tpu.dma_semaphore, #tpu.memory_space<semaphore_mem>>) src(%arg33 : memref<128x32xf32, #tpu.memory_space<vmem>>) dst(%dma_wait3A_452 : memref<128x32xf32, #tpu.memory_space<hbm>>)
      %dma_wait3A_453 = arith.constant 0 : i32
      %dma_wait3A_454 = arith.constant 0 : i32
      %dma_wait3A_455 = tpu.memref_slice %arg20[%add3A_188, %dma_wait3A_453, %dma_wait3A_454] : memref<200x4096x32xf32, #tpu.memory_space<hbm>> -> memref<1x4096x32xf32, #tpu.memory_space<hbm>>
      %dma_wait3A_456 = tpu.memref_squeeze %dma_wait3A_455 : memref<1x4096x32xf32, #tpu.memory_space<hbm>> -> memref<4096x32xf32, #tpu.memory_space<hbm>>
      %dma_wait3A_457 = arith.constant 0 : i32
      %dma_wait3A_458 = tpu.memref_slice %dma_wait3A_456[%mul3A_2, %dma_wait3A_457] : memref<4096x32xf32, #tpu.memory_space<hbm>> -> memref<128x32xf32, #tpu.memory_space<hbm>>
      %dma_wait3A_459 = arith.constant 0 : i32
      %dma_wait3A_460 = arith.constant 0 : i32
      %dma_wait3A_461 = tpu.memref_slice %arg20[%add3A_188, %dma_wait3A_459, %dma_wait3A_460] : memref<200x4096x32xf32, #tpu.memory_space<hbm>> -> memref<1x4096x32xf32, #tpu.memory_space<hbm>>
      %dma_wait3A_462 = tpu.memref_squeeze %dma_wait3A_461 : memref<1x4096x32xf32, #tpu.memory_space<hbm>> -> memref<4096x32xf32, #tpu.memory_space<hbm>>
      %dma_wait3A_463 = arith.constant 0 : i32
      %dma_wait3A_464 = tpu.memref_slice %dma_wait3A_462[%mul3A_2, %dma_wait3A_463] : memref<4096x32xf32, #tpu.memory_space<hbm>> -> memref<128x32xf32, #tpu.memory_space<hbm>>
      tpu.wait_dma2 semaphore(%arg46 : memref<!tpu.dma_semaphore, #tpu.memory_space<semaphore_mem>>) src(%arg34 : memref<128x32xf32, #tpu.memory_space<vmem>>) dst(%dma_wait3A_464 : memref<128x32xf32, #tpu.memory_space<hbm>>)
      %dma_wait3A_465 = arith.constant 0 : i32
      %dma_wait3A_466 = arith.constant 0 : i32
      %dma_wait3A_467 = tpu.memref_slice %arg21[%add3A_196, %dma_wait3A_465, %dma_wait3A_466] : memref<200x4096x32xf32, #tpu.memory_space<hbm>> -> memref<1x4096x32xf32, #tpu.memory_space<hbm>>
      %dma_wait3A_468 = tpu.memref_squeeze %dma_wait3A_467 : memref<1x4096x32xf32, #tpu.memory_space<hbm>> -> memref<4096x32xf32, #tpu.memory_space<hbm>>
      %dma_wait3A_469 = arith.constant 0 : i32
      %dma_wait3A_470 = tpu.memref_slice %dma_wait3A_468[%mul3A_2, %dma_wait3A_469] : memref<4096x32xf32, #tpu.memory_space<hbm>> -> memref<128x32xf32, #tpu.memory_space<hbm>>
      %dma_wait3A_471 = arith.constant 0 : i32
      %dma_wait3A_472 = arith.constant 0 : i32
      %dma_wait3A_473 = tpu.memref_slice %arg21[%add3A_196, %dma_wait3A_471, %dma_wait3A_472] : memref<200x4096x32xf32, #tpu.memory_space<hbm>> -> memref<1x4096x32xf32, #tpu.memory_space<hbm>>
      %dma_wait3A_474 = tpu.memref_squeeze %dma_wait3A_473 : memref<1x4096x32xf32, #tpu.memory_space<hbm>> -> memref<4096x32xf32, #tpu.memory_space<hbm>>
      %dma_wait3A_475 = arith.constant 0 : i32
      %dma_wait3A_476 = tpu.memref_slice %dma_wait3A_474[%mul3A_2, %dma_wait3A_475] : memref<4096x32xf32, #tpu.memory_space<hbm>> -> memref<128x32xf32, #tpu.memory_space<hbm>>
      tpu.wait_dma2 semaphore(%arg46 : memref<!tpu.dma_semaphore, #tpu.memory_space<semaphore_mem>>) src(%arg35 : memref<128x32xf32, #tpu.memory_space<vmem>>) dst(%dma_wait3A_476 : memref<128x32xf32, #tpu.memory_space<hbm>>)
      %dma_wait3A_477 = arith.constant 0 : i32
      %dma_wait3A_478 = arith.constant 0 : i32
      %dma_wait3A_479 = tpu.memref_slice %arg20[%add3A_204, %dma_wait3A_477, %dma_wait3A_478] : memref<200x4096x32xf32, #tpu.memory_space<hbm>> -> memref<1x4096x32xf32, #tpu.memory_space<hbm>>
      %dma_wait3A_480 = tpu.memref_squeeze %dma_wait3A_479 : memref<1x4096x32xf32, #tpu.memory_space<hbm>> -> memref<4096x32xf32, #tpu.memory_space<hbm>>
      %dma_wait3A_481 = arith.constant 0 : i32
      %dma_wait3A_482 = tpu.memref_slice %dma_wait3A_480[%mul3A_2, %dma_wait3A_481] : memref<4096x32xf32, #tpu.memory_space<hbm>> -> memref<128x32xf32, #tpu.memory_space<hbm>>
      %dma_wait3A_483 = arith.constant 0 : i32
      %dma_wait3A_484 = arith.constant 0 : i32
      %dma_wait3A_485 = tpu.memref_slice %arg20[%add3A_204, %dma_wait3A_483, %dma_wait3A_484] : memref<200x4096x32xf32, #tpu.memory_space<hbm>> -> memref<1x4096x32xf32, #tpu.memory_space<hbm>>
      %dma_wait3A_486 = tpu.memref_squeeze %dma_wait3A_485 : memref<1x4096x32xf32, #tpu.memory_space<hbm>> -> memref<4096x32xf32, #tpu.memory_space<hbm>>
      %dma_wait3A_487 = arith.constant 0 : i32
      %dma_wait3A_488 = tpu.memref_slice %dma_wait3A_486[%mul3A_2, %dma_wait3A_487] : memref<4096x32xf32, #tpu.memory_space<hbm>> -> memref<128x32xf32, #tpu.memory_space<hbm>>
      tpu.wait_dma2 semaphore(%arg46 : memref<!tpu.dma_semaphore, #tpu.memory_space<semaphore_mem>>) src(%arg36 : memref<128x32xf32, #tpu.memory_space<vmem>>) dst(%dma_wait3A_488 : memref<128x32xf32, #tpu.memory_space<hbm>>)
      %dma_wait3A_489 = arith.constant 0 : i32
      %dma_wait3A_490 = arith.constant 0 : i32
      %dma_wait3A_491 = tpu.memref_slice %arg21[%add3A_212, %dma_wait3A_489, %dma_wait3A_490] : memref<200x4096x32xf32, #tpu.memory_space<hbm>> -> memref<1x4096x32xf32, #tpu.memory_space<hbm>>
      %dma_wait3A_492 = tpu.memref_squeeze %dma_wait3A_491 : memref<1x4096x32xf32, #tpu.memory_space<hbm>> -> memref<4096x32xf32, #tpu.memory_space<hbm>>
      %dma_wait3A_493 = arith.constant 0 : i32
      %dma_wait3A_494 = tpu.memref_slice %dma_wait3A_492[%mul3A_2, %dma_wait3A_493] : memref<4096x32xf32, #tpu.memory_space<hbm>> -> memref<128x32xf32, #tpu.memory_space<hbm>>
      %dma_wait3A_495 = arith.constant 0 : i32
      %dma_wait3A_496 = arith.constant 0 : i32
      %dma_wait3A_497 = tpu.memref_slice %arg21[%add3A_212, %dma_wait3A_495, %dma_wait3A_496] : memref<200x4096x32xf32, #tpu.memory_space<hbm>> -> memref<1x4096x32xf32, #tpu.memory_space<hbm>>
      %dma_wait3A_498 = tpu.memref_squeeze %dma_wait3A_497 : memref<1x4096x32xf32, #tpu.memory_space<hbm>> -> memref<4096x32xf32, #tpu.memory_space<hbm>>
      %dma_wait3A_499 = arith.constant 0 : i32
      %dma_wait3A_500 = tpu.memref_slice %dma_wait3A_498[%mul3A_2, %dma_wait3A_499] : memref<4096x32xf32, #tpu.memory_space<hbm>> -> memref<128x32xf32, #tpu.memory_space<hbm>>
      tpu.wait_dma2 semaphore(%arg46 : memref<!tpu.dma_semaphore, #tpu.memory_space<semaphore_mem>>) src(%arg37 : memref<128x32xf32, #tpu.memory_space<vmem>>) dst(%dma_wait3A_500 : memref<128x32xf32, #tpu.memory_space<hbm>>)
    }
    %scan3A_147 = arith.constant 50 : i32
    return
  }
}

</mosaic_0001>

<sc_bundles>
// kernel: kernel.3.cloned.1.call-start
scs
__scs_entry_jumppad:
0x0: {  	(pc) =	sbr.rel $0x88, $3  }
0x1: {  	(tag) =	ssettag $0x0;
	lr =	simm.s32 $0x1  }
0x2: {  	[smem:$0x3F93] =	sst lr;
	_ =	strace $0xD0000000  }
0x3: {  	_ = 	snop  }
0x4: {  	_ = 	snop  }
0x5: {  	_ = 	snop  }
0x6: {  	_ = 	snop  }
0x7: {  	_ = 	snop  }
__scs_overlays_trampoline_lowered:
0x8: {  	[smem:$0x3FA2] =	sst s0  }
0x9: {  	[smem:$0x3FA3] =	sst s1  }
0xa: {  	[smem:$0x3FA4] =	sst s2  }
0xb: {  	[smem:$0x3FA5] =	sst s3  }
0xc: {  	[smem:$0x3FA6] =	sst s4  }
0xd: {  	[smem:$0x3FA7] =	sst s5  }
0xe: {  	[smem:$0x3FA8] =	sst s6  }
0xf: {  	[smem:$0x3FA9] =	sst s7  }
0x10: {  	[smem:$0x3FAA] =	sst s8  }
0x11: {  	[smem:$0x3FAB] =	sst s9;
	s0 =	simm.s32 @!p0 $0x0  }
0x12: {  	s1 =	sld [smem:$0x3F91];
	s0 =	simm.s32 @p0 $0x1  }
0x13: {  	[smem:$0x3FAC] =	sst s0;
	s0 =	simm.s32 @!p1 $0x0  }
0x14: {  	s2 =	sld [smem:$0x3F90];
	s0 =	simm.s32 @p1 $0x1  }
0x15: {  	[smem:$0x3FAD] =	sst s0;
	s0 =	simm.s32 @!p2 $0x0  }
0x16: {  	s3 =	sld [smem:$0x3FDB];
	s0 =	simm.s32 @p2 $0x1  }
0x17: {  	s4 =	simm.s32 $0x1BF5;
	[smem:$0x3FAF] =	sst s0  }
0x18: {  	s0 =	sld [smem:$0x3F92];
	_ =	swait.ge [sflag:s4], $0x0  }
0x19: {  	s7 =	sld [smem:$0x3F93]  }
0x1a: {  	s8 =	sadd.s32 $0xFFFFE003, lr  }
0x1b: {  	s9 =	sadd.s32 $0xFFFFFEF7, lr;
	s5 =	simm.s32 $0xFFFFFFFF;
	p2 =	slt.u32 s8, $0xFFFFF086  }
0x1c: {  	p1 =	slt.u32 s9, $0xF7A;
	s5 =	simm.s32 @!p2 $0x0  }
0x1d: {  	s5 =	simm.s32 @p1 $0x1;
	p0 =	seq.s32 s7, s2  }
0x1e: {  	s7 =	smul.u32 @!p0 $0xF7A, s2;
	p2 =	seq.s32 @!p0 s5, $0x0  }
0x1f: {  	s9 =	smul.u32 $0xF7A, s1;
	s8 =	simm.s32 @!p0 $0x1BF5;
	p2 =	por !p2, p0  }
0x20: {  	[sflag:s8] =	ssyncset.s32 @!p0 $0xFFFFF086;
	s6 =	sadd.s32 @!p0 s3, s7;
	s7 =	simm.s32 @!p0 $0x108  }
0x21: {  	s3 =	sadd.s32 s3, s9;
	s6 =	sadd.s32 @!p0 $0x88, s6;
	s7 =	simm.s32 @p2 $0x1082  }
0x22: {  	[simem:s7], [sflag:s8] =	dma.local @!p0 [hbm:s6], $0xF7A  }
0x23: {  	s9 =	sor.u32 $0xD0000000, s2;
	s6 =	simm.s32 $0x108;
	_ =	swait.ge @!p0 [sflag:s8], $0x0  }
0x24: {  	s3 =	sadd.s32 $0x88, s3;
	s6 =	simm.s32 @!p1 $0x1082;
	[sflag:s4] =	ssyncset.s32 $0xFFFFF086  }
0x25: {  	[simem:s6], [sflag:s4] =	dma.local [hbm:s3], $0xF7A  }
0x26: {  	[smem:$0x3F93] =	sst s1;
	(tag) =	ssettag s2;
	_ =	strace s9  }
0x27: {  	s1 =	sld [smem:$0x3FA3]  }
0x28: {  	s2 =	sld [smem:$0x3FA4]  }
0x29: {  	s4 =	sld [smem:$0x3FA6]  }
0x2a: {  	p0 =	seq.s32 s5, $0x0;
	s5 =	sld [smem:$0x3FA7]  }
0x2b: {  	s6 =	sld [smem:$0x3FA8]  }
0x2c: {  	s7 =	sld [smem:$0x3FA9]  }
0x2d: {  	s3 =	simm.s32 $0x108;
	s8 =	sld [smem:$0x3FAA]  }
0x2e: {  	s3 =	simm.s32 @!p0 $0x1082;
	s9 =	sld [smem:$0x3FAB]  }
0x2f: {  	lr =	sadd.s32 s0, s3;
	s0 =	sld [smem:$0x3FA2]  }
0x30: {  	s3 =	sld [smem:$0x3FA5]  }
0x31: {  	[smem:$0x3FAE] =	sst s10  }
0x32: {  	s10 =	sld [smem:$0x3FAC];
	_ =	sdelay $0x3  }
0x33: {  	p0 =	seq.s32 s10, $0x1;
	s10 =	sld [smem:$0x3FAE];
	_ =	sdelay $0x3  }
0x34: {  	[smem:$0x3FAE] =	sst s10  }
0x35: {  	s10 =	sld [smem:$0x3FAD];
	_ =	sdelay $0x3  }
0x36: {  	p1 =	seq.s32 s10, $0x1;
	s10 =	sld [smem:$0x3FAE];
	_ =	sdelay $0x3  }
0x37: {  	[smem:$0x3FAE] =	sst s10  }
0x38: {  	s10 =	sld [smem:$0x3FAF]  }
0x39: {  	_ = 	snop;
	(pc) =	sbr.ind lr, $3  }
0x3a: {  	_ = 	snop  }
0x3b: {  	_ = 	snop  }
0x3c: {  	p2 =	seq.s32 s10, $0x1;
	s10 =	sld [smem:$0x3FAE]  }
0x3d: {  	_ =	shalt  }
0x3e: {  	_ =	shalt  }
0x3f: {  	_ =	shalt  }
0x40: {  	_ =	shalt  }
0x41: {  	_ =	shalt  }
0x42: {  	_ =	shalt  }
0x43: {  	_ =	shalt  }
0x44: {  	_ =	shalt  }
0x45: {  	_ =	shalt  }
0x46: {  	_ =	shalt  }
0x47: {  	_ =	shalt  }
0x48: {  	_ =	shalt  }
0x49: {  	_ =	shalt  }
0x4a: {  	_ =	shalt  }
0x4b: {  	_ =	shalt  }
0x4c: {  	_ =	shalt  }
0x4d: {  	_ =	shalt  }
0x4e: {  	_ =	shalt  }
0x4f: {  	_ =	shalt  }
0x50: {  	_ =	shalt  }
0x51: {  	_ =	shalt  }
0x52: {  	_ =	shalt  }
0x53: {  	_ =	shalt  }
0x54: {  	_ =	shalt  }
0x55: {  	_ =	shalt  }
0x56: {  	_ =	shalt  }
0x57: {  	_ =	shalt  }
0x58: {  	_ =	shalt  }
0x59: {  	_ =	shalt  }
0x5a: {  	_ =	shalt  }
0x5b: {  	_ =	shalt  }
0x5c: {  	_ =	shalt  }
0x5d: {  	_ =	shalt  }
0x5e: {  	_ =	shalt  }
0x5f: {  	_ =	shalt  }
0x60: {  	_ =	shalt  }
0x61: {  	_ =	shalt  }
0x62: {  	_ =	shalt  }
0x63: {  	_ =	shalt  }
0x64: {  	_ =	shalt  }
0x65: {  	_ =	shalt  }
0x66: {  	_ =	shalt  }
0x67: {  	_ =	shalt  }
0x68: {  	_ =	shalt  }
0x69: {  	_ =	shalt  }
0x6a: {  	_ =	shalt  }
0x6b: {  	_ =	shalt  }
0x6c: {  	_ =	shalt  }
0x6d: {  	_ =	shalt  }
0x6e: {  	_ =	shalt  }
0x6f: {  	_ =	shalt  }
0x70: {  	_ =	shalt  }
0x71: {  	_ =	shalt  }
0x72: {  	_ =	shalt  }
0x73: {  	_ =	shalt  }
0x74: {  	_ =	shalt  }
0x75: {  	_ =	shalt  }
0x76: {  	_ =	shalt  }
0x77: {  	_ =	shalt  }
0x78: {  	_ =	shalt  }
0x79: {  	_ =	shalt  }
0x7a: {  	_ =	shalt  }
0x7b: {  	_ =	shalt  }
0x7c: {  	_ =	shalt  }
0x7d: {  	_ =	shalt  }
0x7e: {  	_ =	shalt  }
0x7f: {  	_ =	shalt  }
0x80: {  	_ =	shalt  }
0x81: {  	_ =	shalt  }
0x82: {  	_ =	shalt  }
0x83: {  	_ =	shalt  }
0x84: {  	_ =	shalt  }
0x85: {  	_ =	shalt  }
0x86: {  	_ =	shalt  }
0x87: {  	_ =	shalt  }
.Lfunc_end0:
.L_simem_size_0:
called_computation.1_lowered:
.L_overlay_start_0:
0x88: {  	s2 =	sld [smem:$0x3FD9]  }
0x89: {  	s3 =	sld [smem:$0x3FFE];
	_ =	sdelay $0x1  }
0x8a: {  	s1 =	srdreg.scid  }
0x8b: {  	s0 =	sand.u32 $0x1, s1  }
0x8c: {  	s28 =	sshll.u32 s0, $0xA;
	s2 =	sadd.s32 s3, s2  }
0x8d: {  	s2 =	sadd.s32 s2, s28  }
0x8e: {  	[smem:$0x3FBA] =	sst s2  }
0x8f: {  	_ = 	snop  }
0x90: {  	s3 =	sld [smem:$0x3FC9]  }
0x91: {  	s4 =	sld [smem:$0x3FC8]  }
0x92: {  	s5 =	sld [smem:$0x3FD0]  }
0x93: {  	s6 =	sld [smem:$0x3FC7]  }
0x94: {  	s7 =	sld [smem:$0x3FC6]  }
0x95: {  	s8 =	simm.s32 $0xA;
	s9 =	simm.s32 $0x10;
	s2 =	sld [smem:$0x3FC3]  }
0x96: {  	[smem:s9], [sflag:s8] =	dma.local [hbm:s5], $0x1  }
0x97: {  	_ =	swait.eq [sflag:s8], $0x1  }
0x98: {  	s29 =	sld [smem:$0x10]  }
0x99: {  	s30 =	sld [smem:$0x11]  }
0x9a: {  	s10 =	sld [smem:$0x12]  }
0x9b: {  	s11 =	sld [smem:$0x13]  }
0x9c: {  	s12 =	sld [smem:$0x14];
	[sflag:s8] =	ssyncset.done $0x0  }
0x9d: {  	s13 =	sld [smem:$0x15];
	[sflag:s8] =	ssyncadd.s32 $0xFFFFFFFF  }
0x9e: {  	s31 =	sld [smem:$0x16];
	(tm) =	ssettm $0x1  }
0x9f: {  	s14 =	sld [smem:$0x3FFB];
	_ =	sdelay $0x3  }
0xa0: {  	_ =	strace s14  }
0xa1: {  	s14 =	sld [smem:$0x3FFC];
	_ =	sdelay $0x3  }
0xa2: {  	_ =	strace s14  }
0xa3: {  	s14 =	sld [smem:$0x3FFD];
	_ =	sdelay $0x3  }
0xa4: {  	_ =	strace s14  }
0xa5: {  	_ =	strace $0x8FFFFFFF  }
0xa6: {  	s19 =	sld [smem:$0x3FDB];
	_ =	sdelay $0x1  }
0xa7: {  	s15 =	simm.s32 $_scs_section_size  }
0xa8: {  	s16 =	simm.s32 $_size__tile_overlayer_lowered;
	s17 =	simm.s32 $_tile_overlayer_lowered  }
0xa9: {  	s22 =	simm.s32 $0x1BFF;
	s21 =	sshll.u32 s17, $0x1;
	s14 =	sadd.s32 s15, s19  }
0xaa: {  	s18 =	simm.s32 $0x0;
	s20 =	sshll.u32 s16, $0x1;
	s16 =	sadd.s32 s21, s14  }
0xab: {  	[timem:s18], [sflag:s22] =	dma.local [hbm:s16], s20  }
0xac: {  	_ =	swait.ge [sflag:s22], s20  }
0xad: {  	s15 =	ssub.s32 $0x0, s20;
	[sflag:s22] =	ssyncset.done $0x0  }
0xae: {  	[sflag:s22] =	ssyncadd.s32 s15;
	_ =	sdelay $0x1  }
0xaf: {  	s23 =	simm.s32 $0x1B8B  }
0xb0: {  	_ =	swait.ge [sflag:s23], $0x1  }
0xb1: {  	[sflag:s23] =	ssyncset.done $0x0  }
0xb2: {  	s25 =	simm.s32 $0x1B8E;
	s24 =	sld [smem:$0x3FFE];
	[sflag:s23] =	ssyncadd.s32 $0xFFFFFFFF  }
0xb3: {  	s26 =	simm.s32 $execute0_lowered;
	[smem:$0x3FD2] =	sst s25  }
0xb4: {  	s16 =	sshll.u32 s26, $0x1;
	_ =	strace $0x80000046;
	[dreg:$0x1] =	wrdreg $0xFFFFFFFF  }
0xb5: {  	s28 =	simm.s32 $_size_execute0_lowered;
	s14 =	sadd.s32 s14, s16;
	[dreg:$0x0] =	wrdreg $0x0  }
0xb6: {  	s16 =	sshll.u32 s28, $0x1;
	[dreg:$0x2] =	wrdreg s14  }
0xb7: {  	[dreg:$0x3] =	wrdreg s16  }
0xb8: {  	[dreg:$0x4] =	wrdreg $0xC0  }
0xb9: {  	_ =	task [dreg:s18], $0x5FFFF  }
0xba: {  	[dreg:$0x1] =	wrdreg $0xFFFFFFFF  }
0xbb: {  	[dreg:$0x0] =	wrdreg $0x60  }
0xbc: {  	[dreg:$0x2] =	wrdreg s3  }
0xbd: {  	[dreg:$0x3] =	wrdreg s4  }
0xbe: {  	[dreg:$0x4] =	wrdreg s6  }
0xbf: {  	[dreg:$0x5] =	wrdreg s7  }
0xc0: {  	[dreg:$0x6] =	wrdreg s13  }
0xc1: {  	[dreg:$0x7] =	wrdreg s24  }
0xc2: {  	[dreg:$0x8] =	wrdreg s2  }
0xc3: {  	[dreg:$0x9] =	wrdreg s29  }
0xc4: {  	[dreg:$0xa] =	wrdreg s10  }
0xc5: {  	[dreg:$0xb] =	wrdreg s12  }
0xc6: {  	[dreg:$0xc] =	wrdreg s11  }
0xc7: {  	[dreg:$0xd] =	wrdreg s30  }
0xc8: {  	[dreg:$0xe] =	wrdreg s31  }
0xc9: {  	[dreg:$0xf] =	wrdreg $0x9  }
0xca: {  	_ =	task.clear_ibuf [dreg:s18], $0x10FFFF;
	_ =	strace $0x90000046  }
0xcb: {  	s29 =	simm.s32 $0x9;
	_ =	strace $0x80000048  }
0xcc: {  	_ =	swait.ge [sflag:s29], $0x1  }
0xcd: {  	[sflag:s29] =	ssyncadd.s32 $0xFFFFFFFF  }
0xce: {  	_ =	strace $0x90000048  }
0xcf: {  	_ =	sfence  }
0xd0: {  	s30 =	sld [smem:$0x0];
	_ =	sdelay $0x2  }
0xd1: {  	s31 =	sshll.u32 s1, $0xD;
	s1 =	sshrl.u32 s1, $0x2  }
0xd2: {  	s3 =	sand.u32 $0x4000, s31;
	s1 =	sadd.s32 s1, s30  }
0xd3: {  	s0 =	sor.u32 s3, s0;
	s1 =	sshll.u32 s1, $0x11  }
0xd4: {  	s0 =	sor.u32 s1, s0  }
0xd5: {  	s0 =	sadd.s32 $0x8F2B, s0  }
0xd6: {  	[sflag:s0] =	ssyncadd.remote.s32 $0x1  }
0xd7: {  	_ =	sfence.sel $0xFFFF  }
0xd8: {  	[dreg:$0x0] =	wrdreg $0xFFFFFFFF;
	(pc) =	sbr.abs _section_cstart, $3  }
0xd9: {  	[dreg:$0x1] =	wrdreg $0xFFFFFFFF  }
0xda: {  	_ =	task.clear_ibuf [dreg:s18], $0x2FFFF;
	_ =	strace $0x9FFFFFFF  }
0xdb: {  	(tm) =	ssettm $0x7FFFFFFF  }
tec
execute0_lowered:
.L_overlay_start_1:
0x0: {  	(tag) =	ssettag $0x1  }
0x1: {  	s1 =	rddreg [dreg:$0x0]  }
0x2: {  	s2 =	rddreg [dreg:$0x1]  }
0x3: {  	s4 =	rddreg [dreg:$0x2]  }
0x4: {  	s5 =	rddreg [dreg:$0x3]  }
0x5: {  	s10 =	rddreg [dreg:$0x4]  }
0x6: {  	s11 =	rddreg [dreg:$0x5]  }
0x7: {  	s12 =	rddreg [dreg:$0x6]  }
0x8: {  	s13 =	rddreg [dreg:$0x7]  }
0x9: {  	s0 =	rddreg [dreg:$0x8]  }
0xa: {  	s14 =	rddreg [dreg:$0x9]  }
0xb: {  	s15 =	rddreg [dreg:$0xa]  }
0xc: {  	s16 =	rddreg [dreg:$0xb]  }
0xd: {  	s3 =	srdreg.scid;
	s6 =	rddreg [dreg:$0xc]  }
0xe: {  	s7 =	stileid.u32;
	s28 =	simm.s32 $0x5;
	s29 =	simm.s32 $0x9  }
0xf: {  	s17 =	sand.u32 $0x1, s3;
	[dreg:$0xe] =	wrdreg s6;
	s22 =	sshll.u32 s7, $0x8  }
0x10: {  	s3 =	simm.s32 $0x0;
	s24 =	sadd.s32 $0x2200, s11;
	s25 =	sadd.s32 $0x2000, s11  }
0x11: {  	s26 =	sadd.s32 $0x26000, s11;
	s6 =	sadd.s32 $0x1C200, s11;
	[smem:$0x7FF] =	sst s3  }
0x12: {  	s20 =	sadd.s32 $0x346000, s11;
	_ =	strace $0x80000047;
	[dreg:$0x12] =	wrdreg s24  }
0x13: {  	s7 =	sadd.s32 $0xF68400, s11;
	s8 =	sadd.s32 $0x1338E00, s11;
	[dreg:$0x13] =	wrdreg s25  }
0x14: {  	s30 =	sadd.s32 $0x672000, s11;
	s23 =	sshll.u32 s17, $0x7;
	[dreg:$0x10] =	wrdreg s26  }
0x15: {  	s17 =	ssub.s32 $0x2, s17;
	s9 =	sor.u32 s23, s22;
	[dreg:$0x11] =	wrdreg s20  }
0x16: {  	[dreg:$0xf] =	wrdreg s30;
	s31 =	sshrl.u32 s17, $0x1;
	s18 =	sshrl.u32 s9, $0x3  }
0x17: {  	s9 =	sshll.u32 s9, $0x2;
	s17 =	ssub.s32 s17, s31;
	s1 =	sadd.s32 s1, s18  }
0x18: {  	s19 =	sadd.s32 s18, s11;
	s2 =	sadd.s32 s2, s18;
	[dreg:$0x14] =	wrdreg s1  }
0x19: {  	s11 =	sadd.s32 s9, s11;
	s4 =	sadd.s32 s4, s18;
	[dreg:$0x15] =	wrdreg s2  }
0x1a: {  	s5 =	sadd.s32 s5, s18;
	s12 =	sadd.s32 s12, s18;
	[dreg:$0x16] =	wrdreg s4  }
0x1b: {  	s13 =	sadd.s32 s13, s18;
	s20 =	sadd.s32 s10, s18;
	[dreg:$0x17] =	wrdreg s5  }
0x1c: {  	s22 =	sadd.s32 s14, s9;
	s23 =	sadd.s32 s15, s9;
	[dreg:$0x18] =	wrdreg s12  }
0x1d: {  	s24 =	sadd.s32 s16, s9;
	s31 =	smax.u32 s17, $0x1;
	[dreg:$0x19] =	wrdreg s13  }
0x1e: {  	s10 =	simm.s32 $0x11600;
	s14 =	simm.s32 $0x3;
	[dreg:$0x1a] =	wrdreg s20  }
0x1f: {  	s15 =	simm.s32 $0x4;
	s16 =	simm.s32 $0x6;
	[dreg:$0x1c] =	wrdreg s22  }
0x20: {  	s17 =	simm.s32 $0x13600;
	s18 =	simm.s32 $0x14600;
	[dreg:$0x1d] =	wrdreg s23  }
0x21: {  	s21 =	sadd.s32 $0x3200, s19;
	[dreg:$0x1e] =	wrdreg s24;
	s25 =	sadd.s32 $0x666000, s11  }
0x22: {  	s26 =	sadd.s32 $0x66A000, s11;
	s30 =	sadd.s32 $0x66E000, s11;
	[smem:$0x7FD] =	sst s31  }
0x23: {  	s2 =	simm.s32 $0xD600;
	s1 =	simm.s32 $0xE600;
	s4 =	simm.s32 $0xF600  }
0x24: {  	s5 =	simm.s32 $0x10600;
	s11 =	simm.s32 $0x12600;
	[dreg:$0x1b] =	wrdreg s21  }
0x25: {  	s12 =	simm.s32 $0x1;
	s13 =	simm.s32 $0x2;
	[dreg:$0x1f] =	wrdreg s25  }
0x26: {  	s19 =	simm.s32 $0x7;
	s20 =	simm.s32 $0x8;
	[smem:$0x7FB] =	sst s26  }
0x27: {  	s22 =	simm.s32 $0x0;
	[smem:$0x7FC] =	sst s30;
	s26 =	simm.s32 $0x80  }
.LBB2_1:
0x28: {  	[smem:$0x7FA] =	sst s22  }
0x29: {  	s21 =	rddreg [dreg:$0x14];
	s23 =	simm.s32 $0xA  }
0x2a: {  	[tilespmem:s3], [sflag:$0xA] =	stream.linear.gather [hbm4b:s21+s3], $0x80, $0x38;
	[tilespmem:$0x15600] =	vst v63  }
0x2b: {  	_ =	swait.ge [sflag:s23], $0x80  }
0x2c: {  	[sflag:s23] =	ssyncset.done $0x0  }
0x2d: {  	s24 =	rddreg [dreg:$0x15];
	[sflag:s23] =	ssyncadd.s32 $0xFFFFFF80  }
0x2e: {  	[tilespmem:s26], [sflag:$0xA] =	stream.linear.gather [hbm4b:s24+s3], $0x80, $0x38;
	[tilespmem:$0x15600] =	vst v63  }
0x2f: {  	_ =	swait.ge [sflag:s23], $0x80  }
0x30: {  	[sflag:s23] =	ssyncset.done $0x0  }
0x31: {  	s30 =	simm.s32 $0x100;
	s25 =	rddreg [dreg:$0x16];
	[sflag:s23] =	ssyncadd.s32 $0xFFFFFF80  }
0x32: {  	[tilespmem:s30], [sflag:$0xA] =	stream.linear.gather [hbm4b:s25+s3], $0x80, $0x38;
	[tilespmem:$0x15600] =	vst v63  }
0x33: {  	_ =	swait.ge [sflag:s23], $0x80  }
0x34: {  	[sflag:s23] =	ssyncset.done $0x0  }
0x35: {  	s24 =	simm.s32 $0x180;
	s31 =	rddreg [dreg:$0x17];
	[sflag:s23] =	ssyncadd.s32 $0xFFFFFF80  }
0x36: {  	[tilespmem:s24], [sflag:$0xA] =	stream.linear.gather [hbm4b:s31+s3], $0x80, $0x38;
	[tilespmem:$0x15600] =	vst v63  }
0x37: {  	_ =	swait.ge [sflag:s23], $0x80  }
0x38: {  	[sflag:s23] =	ssyncset.done $0x0  }
0x39: {  	s30 =	simm.s32 $0x200;
	s22 =	rddreg [dreg:$0x18];
	[sflag:s23] =	ssyncadd.s32 $0xFFFFFF80  }
0x3a: {  	[tilespmem:s30], [sflag:$0xA] =	stream.linear.gather [hbm4b:s22+s3], $0x80, $0x38;
	[tilespmem:$0x15600] =	vst v63  }
0x3b: {  	_ =	swait.ge [sflag:s23], $0x80  }
0x3c: {  	s31 =	simm.s32 $0x1000;
	[sflag:s23] =	ssyncset.done $0x0  }
0x3d: {  	s22 =	simm.s32 $0x400;
	s25 =	rddreg [dreg:$0x19];
	[sflag:s23] =	ssyncadd.s32 $0xFFFFFF80  }
0x3e: {  	[tilespmem:s22], [sflag:$0xA] =	stream.strided.gather [hbm4b:s25+s26], $0xA00, s31, s26, $0x38;
	[tilespmem:$0x15600] =	vst v63  }
0x3f: {  	_ =	swait.ge [sflag:s23], $0xA00  }
0x40: {  	[sflag:s23] =	ssyncset.done $0x0  }
0x41: {  	s25 =	simm.s32 $0xE00;
	s21 =	rddreg [dreg:$0x1a];
	[sflag:s23] =	ssyncadd.s32 $0xFFFFF600  }
0x42: {  	[tilespmem:s25], [sflag:$0xA] =	stream.strided.gather [hbm4b:s21+s26], $0x6400, s31, s26, $0x38;
	[tilespmem:$0x15600] =	vst v63  }
0x43: {  	_ =	swait.ge [sflag:s23], $0x6400  }
0x44: {  	[sflag:s23] =	ssyncset.done $0x0  }
0x45: {  	s25 =	simm.s32 $0x7200;
	s21 =	rddreg [dreg:$0x1b];
	[sflag:s23] =	ssyncadd.s32 $0xFFFF9C00  }
0x46: {  	[tilespmem:s25], [sflag:$0xA] =	stream.strided.gather [hbm4b:s21+s26], $0x6400, s31, s26, $0x38;
	[tilespmem:$0x15600] =	vst v63  }
0x47: {  	_ =	swait.ge [sflag:s23], $0x6400  }
0x48: {  	[sflag:s23] =	ssyncset.done $0x0  }
0x49: {  	[sflag:s23] =	ssyncadd.s32 $0xFFFF9C00;
	s23 =	rddreg [dreg:$0x12]  }
0x4a: {  	[tilespmem:s2], [sflag:$0x1] =	stream.indirect.gather [hbm4b:s23+s26], $0x20, s3, s26, $0xb8;
	[tilespmem:$0x15600] =	vst v63  }
0x4b: {  	s25 =	rddreg [dreg:$0x13]  }
0x4c: {  	[tilespmem:s1], [sflag:$0x2] =	stream.indirect.gather [hbm4b:s25+s26], $0x20, s26, s26, $0xb8;
	[tilespmem:$0x15600] =	vst v63  }
0x4d: {  	s31 =	simm.s32 $0x100  }
0x4e: {  	[tilespmem:s4], [sflag:$0x3] =	stream.indirect.gather [hbm4b:s0+s26], $0x20, s31, s26, $0xb8;
	[tilespmem:$0x15600] =	vst v63  }
0x4f: {  	_ = 	snop  }
0x50: {  	[tilespmem:s5], [sflag:$0x4] =	stream.indirect.gather [hbm4b:s6+s26], $0x20, s24, s26, $0xb8;
	[tilespmem:$0x15600] =	vst v63  }
0x51: {  	_ = 	snop  }
0x52: {  	[tilespmem:s10], [sflag:$0x5] =	stream.indirect.gather [hbm4b:s7+s26], $0x20, s30, s26, $0xb8;
	[tilespmem:$0x15600] =	vst v63  }
0x53: {  	_ = 	snop  }
0x54: {  	[tilespmem:s11], [sflag:$0x6] =	stream.indirect.gather [hbm4b:s8+s26], $0x20, s30, s26, $0xb8;
	[tilespmem:$0x15600] =	vst v63  }
0x55: {  	_ =	swait.ge [sflag:s12], $0x1000  }
0x56: {  	[sflag:s12] =	ssyncset.done $0x0  }
0x57: {  	s23 =	rddreg [dreg:$0x1c];
	[sflag:s12] =	ssyncadd.s32 $0xFFFFF000  }
0x58: {  	[hbm4b:s23+s3] =	stream.linear.scatter [tilespmem:s2], [sflag:$0x9], $0x1000, $0x38;
	[tilespmem:$0x15600] =	vst v63  }
0x59: {  	_ =	swait.ge [sflag:s13], $0x1000  }
0x5a: {  	[sflag:s13] =	ssyncset.done $0x0  }
0x5b: {  	s24 =	rddreg [dreg:$0x1d];
	[sflag:s13] =	ssyncadd.s32 $0xFFFFF000  }
0x5c: {  	[hbm4b:s24+s3] =	stream.linear.scatter [tilespmem:s1], [sflag:$0x9], $0x1000, $0x38;
	[tilespmem:$0x15600] =	vst v63  }
0x5d: {  	_ =	swait.ge [sflag:s14], $0x1000  }
0x5e: {  	[sflag:s14] =	ssyncset.done $0x0  }
0x5f: {  	s25 =	rddreg [dreg:$0x1e];
	[sflag:s14] =	ssyncadd.s32 $0xFFFFF000  }
0x60: {  	[hbm4b:s25+s3] =	stream.linear.scatter [tilespmem:s4], [sflag:$0x9], $0x1000, $0x38;
	[tilespmem:$0x15600] =	vst v63  }
0x61: {  	_ =	swait.ge [sflag:s15], $0x1000  }
0x62: {  	[sflag:s15] =	ssyncset.done $0x0  }
0x63: {  	s30 =	rddreg [dreg:$0x1f];
	[sflag:s15] =	ssyncadd.s32 $0xFFFFF000  }
0x64: {  	[hbm4b:s30+s3] =	stream.linear.scatter [tilespmem:s5], [sflag:$0x9], $0x1000, $0x38;
	[tilespmem:$0x15600] =	vst v63  }
0x65: {  	_ =	swait.ge [sflag:s28], $0x1000  }
0x66: {  	s31 =	sld [smem:$0x7FB]  }
0x67: {  	[sflag:s28] =	ssyncset.done $0x0  }
0x68: {  	[sflag:s28] =	ssyncadd.s32 $0xFFFFF000  }
0x69: {  	[hbm4b:s31+s3] =	stream.linear.scatter [tilespmem:s10], [sflag:$0x9], $0x1000, $0x38;
	[tilespmem:$0x15600] =	vst v63  }
0x6a: {  	_ =	swait.ge [sflag:s16], $0x1000  }
0x6b: {  	s23 =	sld [smem:$0x7FC]  }
0x6c: {  	[sflag:s16] =	ssyncset.done $0x0  }
0x6d: {  	[sflag:s16] =	ssyncadd.s32 $0xFFFFF000  }
0x6e: {  	[hbm4b:s23+s3] =	stream.linear.scatter [tilespmem:s11], [sflag:$0x9], $0x1000, $0x38;
	[tilespmem:$0x15600] =	vst v63  }
0x6f: {  	_ =	swait.ge [sflag:s29], $0x1000  }
0x70: {  	[sflag:s29] =	ssyncset.done $0x0  }
0x71: {  	[sflag:s29] =	ssyncadd.s32 $0xFFFFF000  }
0x72: {  	_ =	swait.ge [sflag:s29], $0x1000  }
0x73: {  	[sflag:s29] =	ssyncset.done $0x0  }
0x74: {  	[sflag:s29] =	ssyncadd.s32 $0xFFFFF000  }
0x75: {  	_ =	swait.ge [sflag:s29], $0x1000  }
0x76: {  	[sflag:s29] =	ssyncset.done $0x0  }
0x77: {  	[sflag:s29] =	ssyncadd.s32 $0xFFFFF000  }
0x78: {  	_ =	swait.ge [sflag:s29], $0x1000  }
0x79: {  	[sflag:s29] =	ssyncset.done $0x0  }
0x7a: {  	[sflag:s29] =	ssyncadd.s32 $0xFFFFF000  }
0x7b: {  	_ =	swait.ge [sflag:s29], $0x1000  }
0x7c: {  	[sflag:s29] =	ssyncset.done $0x0  }
0x7d: {  	[sflag:s29] =	ssyncadd.s32 $0xFFFFF000  }
0x7e: {  	_ =	swait.ge [sflag:s29], $0x1000  }
0x7f: {  	[sflag:s29] =	ssyncset.done $0x0  }
0x80: {  	[sflag:s29] =	ssyncadd.s32 $0xFFFFF000  }
0x81: {  	[tilespmem:s2], [sflag:$0x1] =	stream.indirect.gather [hbm4b:s7+s26], $0x20, s22, s26, $0xb8;
	[tilespmem:$0x15600] =	vst v63  }
0x82: {  	_ = 	snop  }
0x83: {  	[tilespmem:s1], [sflag:$0x2] =	stream.indirect.gather [hbm4b:s8+s26], $0x20, s22, s26, $0xb8;
	[tilespmem:$0x15600] =	vst v63  }
0x84: {  	s24 =	simm.s32 $0x480  }
0x85: {  	[tilespmem:s4], [sflag:$0x3] =	stream.indirect.gather [hbm4b:s7+s26], $0x20, s24, s26, $0xb8;
	[tilespmem:$0x15600] =	vst v63  }
0x86: {  	_ = 	snop  }
0x87: {  	[tilespmem:s5], [sflag:$0x4] =	stream.indirect.gather [hbm4b:s8+s26], $0x20, s24, s26, $0xb8;
	[tilespmem:$0x15600] =	vst v63  }
0x88: {  	s25 =	simm.s32 $0x500  }
0x89: {  	[tilespmem:s10], [sflag:$0x5] =	stream.indirect.gather [hbm4b:s7+s26], $0x20, s25, s26, $0xb8;
	[tilespmem:$0x15600] =	vst v63  }
0x8a: {  	_ = 	snop  }
0x8b: {  	[tilespmem:s11], [sflag:$0x6] =	stream.indirect.gather [hbm4b:s8+s26], $0x20, s25, s26, $0xb8;
	[tilespmem:$0x15600] =	vst v63  }
0x8c: {  	s30 =	simm.s32 $0x580  }
0x8d: {  	[tilespmem:s17], [sflag:$0x7] =	stream.indirect.gather [hbm4b:s7+s26], $0x20, s30, s26, $0xb8;
	[tilespmem:$0x15600] =	vst v63  }
0x8e: {  	_ = 	snop  }
0x8f: {  	[tilespmem:s18], [sflag:$0x8] =	stream.indirect.gather [hbm4b:s8+s26], $0x20, s30, s26, $0xb8;
	[tilespmem:$0x15600] =	vst v63  }
0x90: {  	_ =	swait.ge [sflag:s12], $0x1000  }
0x91: {  	s31 =	rddreg [dreg:$0xe]  }
0x92: {  	[sflag:s12] =	ssyncset.done $0x0;
	s23 =	sadd.s32 $0x0, s31  }
0x93: {  	[sflag:s12] =	ssyncadd.s32 $0xFFFFF000;
	s23 =	sadd.s32 s9, s23  }
0x94: {  	[hbm4b:s23+s3] =	stream.linear.scatter [tilespmem:s2], [sflag:$0x9], $0x1000, $0x38;
	[tilespmem:$0x15600] =	vst v63  }
0x95: {  	_ =	swait.ge [sflag:s13], $0x1000  }
0x96: {  	s21 =	rddreg [dreg:$0xf]  }
0x97: {  	[sflag:s13] =	ssyncset.done $0x0;
	s24 =	sadd.s32 $0x0, s21  }
0x98: {  	[sflag:s13] =	ssyncadd.s32 $0xFFFFF000;
	s24 =	sadd.s32 s9, s24  }
0x99: {  	[hbm4b:s24+s3] =	stream.linear.scatter [tilespmem:s1], [sflag:$0x9], $0x1000, $0x38;
	[tilespmem:$0x15600] =	vst v63  }
0x9a: {  	_ =	swait.ge [sflag:s14], $0x1000  }
0x9b: {  	[sflag:s14] =	ssyncset.done $0x0  }
0x9c: {  	s25 =	sadd.s32 $0x4000, s23;
	[sflag:s14] =	ssyncadd.s32 $0xFFFFF000  }
0x9d: {  	[hbm4b:s25+s3] =	stream.linear.scatter [tilespmem:s4], [sflag:$0x9], $0x1000, $0x38;
	[tilespmem:$0x15600] =	vst v63  }
0x9e: {  	_ =	swait.ge [sflag:s15], $0x1000  }
0x9f: {  	[sflag:s15] =	ssyncset.done $0x0  }
0xa0: {  	s31 =	sadd.s32 $0x4000, s24;
	[sflag:s15] =	ssyncadd.s32 $0xFFFFF000  }
0xa1: {  	[hbm4b:s31+s3] =	stream.linear.scatter [tilespmem:s5], [sflag:$0x9], $0x1000, $0x38;
	[tilespmem:$0x15600] =	vst v63  }
0xa2: {  	_ =	swait.ge [sflag:s28], $0x1000  }
0xa3: {  	[sflag:s28] =	ssyncset.done $0x0  }
0xa4: {  	s21 =	sadd.s32 $0x8000, s23;
	[sflag:s28] =	ssyncadd.s32 $0xFFFFF000  }
0xa5: {  	[hbm4b:s21+s3] =	stream.linear.scatter [tilespmem:s10], [sflag:$0x9], $0x1000, $0x38;
	[tilespmem:$0x15600] =	vst v63  }
0xa6: {  	_ =	swait.ge [sflag:s16], $0x1000  }
0xa7: {  	[sflag:s16] =	ssyncset.done $0x0  }
0xa8: {  	s25 =	sadd.s32 $0x8000, s24;
	[sflag:s16] =	ssyncadd.s32 $0xFFFFF000  }
0xa9: {  	[hbm4b:s25+s3] =	stream.linear.scatter [tilespmem:s11], [sflag:$0x9], $0x1000, $0x38;
	[tilespmem:$0x15600] =	vst v63  }
0xaa: {  	_ =	swait.ge [sflag:s19], $0x1000  }
0xab: {  	[sflag:s19] =	ssyncset.done $0x0  }
0xac: {  	s23 =	sadd.s32 $0xC000, s23;
	[sflag:s19] =	ssyncadd.s32 $0xFFFFF000  }
0xad: {  	[hbm4b:s23+s3] =	stream.linear.scatter [tilespmem:s17], [sflag:$0x9], $0x1000, $0x38;
	[tilespmem:$0x15600] =	vst v63  }
0xae: {  	_ =	swait.ge [sflag:s20], $0x1000  }
0xaf: {  	[sflag:s20] =	ssyncset.done $0x0  }
0xb0: {  	s31 =	sadd.s32 $0xC000, s24;
	[sflag:s20] =	ssyncadd.s32 $0xFFFFF000  }
0xb1: {  	[hbm4b:s31+s3] =	stream.linear.scatter [tilespmem:s18], [sflag:$0x9], $0x1000, $0x38;
	[tilespmem:$0x15600] =	vst v63  }
0xb2: {  	_ =	swait.ge [sflag:s29], $0x1000  }
0xb3: {  	[sflag:s29] =	ssyncset.done $0x0  }
0xb4: {  	[sflag:s29] =	ssyncadd.s32 $0xFFFFF000  }
0xb5: {  	_ =	swait.ge [sflag:s29], $0x1000  }
0xb6: {  	[sflag:s29] =	ssyncset.done $0x0  }
0xb7: {  	[sflag:s29] =	ssyncadd.s32 $0xFFFFF000  }
0xb8: {  	_ =	swait.ge [sflag:s29], $0x1000  }
0xb9: {  	[sflag:s29] =	ssyncset.done $0x0  }
0xba: {  	[sflag:s29] =	ssyncadd.s32 $0xFFFFF000  }
0xbb: {  	_ =	swait.ge [sflag:s29], $0x1000  }
0xbc: {  	[sflag:s29] =	ssyncset.done $0x0  }
0xbd: {  	[sflag:s29] =	ssyncadd.s32 $0xFFFFF000  }
0xbe: {  	_ =	swait.ge [sflag:s29], $0x1000  }
0xbf: {  	[sflag:s29] =	ssyncset.done $0x0  }
0xc0: {  	[sflag:s29] =	ssyncadd.s32 $0xFFFFF000  }
0xc1: {  	_ =	swait.ge [sflag:s29], $0x1000  }
0xc2: {  	[sflag:s29] =	ssyncset.done $0x0  }
0xc3: {  	[sflag:s29] =	ssyncadd.s32 $0xFFFFF000  }
0xc4: {  	_ =	swait.ge [sflag:s29], $0x1000  }
0xc5: {  	[sflag:s29] =	ssyncset.done $0x0  }
0xc6: {  	[sflag:s29] =	ssyncadd.s32 $0xFFFFF000  }
0xc7: {  	_ =	swait.ge [sflag:s29], $0x1000  }
0xc8: {  	s23 =	simm.s32 $0x10000;
	[sflag:s29] =	ssyncset.done $0x0  }
.LBB2_2:
0xc9: {  	[sflag:s29] =	ssyncadd.s32 $0xFFFFF000;
	s22 =	sadd.s32 $0x200, s22  }
0xca: {  	[tilespmem:s2], [sflag:$0x1] =	stream.indirect.gather [hbm4b:s7+s26], $0x20, s22, s26, $0xb8;
	[tilespmem:$0x15600] =	vst v63  }
0xcb: {  	_ = 	snop  }
0xcc: {  	[tilespmem:s1], [sflag:$0x2] =	stream.indirect.gather [hbm4b:s8+s26], $0x20, s22, s26, $0xb8;
	[tilespmem:$0x15600] =	vst v63  }
0xcd: {  	s24 =	sadd.s32 $0x80, s22  }
0xce: {  	[tilespmem:s4], [sflag:$0x3] =	stream.indirect.gather [hbm4b:s7+s26], $0x20, s24, s26, $0xb8;
	[tilespmem:$0x15600] =	vst v63  }
0xcf: {  	_ = 	snop  }
0xd0: {  	[tilespmem:s5], [sflag:$0x4] =	stream.indirect.gather [hbm4b:s8+s26], $0x20, s24, s26, $0xb8;
	[tilespmem:$0x15600] =	vst v63  }
0xd1: {  	s25 =	sadd.s32 $0x100, s22  }
0xd2: {  	[tilespmem:s10], [sflag:$0x5] =	stream.indirect.gather [hbm4b:s7+s26], $0x20, s25, s26, $0xb8;
	[tilespmem:$0x15600] =	vst v63  }
0xd3: {  	_ = 	snop  }
0xd4: {  	[tilespmem:s11], [sflag:$0x6] =	stream.indirect.gather [hbm4b:s8+s26], $0x20, s25, s26, $0xb8;
	[tilespmem:$0x15600] =	vst v63  }
0xd5: {  	s31 =	sadd.s32 $0x180, s22  }
0xd6: {  	[tilespmem:s17], [sflag:$0x7] =	stream.indirect.gather [hbm4b:s7+s26], $0x20, s31, s26, $0xb8;
	[tilespmem:$0x15600] =	vst v63  }
0xd7: {  	_ = 	snop  }
0xd8: {  	[tilespmem:s18], [sflag:$0x8] =	stream.indirect.gather [hbm4b:s8+s26], $0x20, s31, s26, $0xb8;
	[tilespmem:$0x15600] =	vst v63  }
0xd9: {  	_ =	swait.ge [sflag:s12], $0x1000  }
0xda: {  	s30 =	smov.u32 s23;
	s21 =	rddreg [dreg:$0xe]  }
0xdb: {  	[sflag:s12] =	ssyncset.done $0x0;
	s24 =	sadd.s32 s30, s21  }
0xdc: {  	[sflag:s12] =	ssyncadd.s32 $0xFFFFF000;
	s31 =	sadd.s32 s9, s24;
	s24 =	simm.s32 $0x0  }
0xdd: {  	[hbm4b:s31+s24] =	stream.linear.scatter [tilespmem:s2], [sflag:$0x9], $0x1000, $0x38;
	[tilespmem:$0x15600] =	vst v63  }
0xde: {  	_ =	swait.ge [sflag:s13], $0x1000  }
0xdf: {  	s21 =	rddreg [dreg:$0xf]  }
0xe0: {  	[sflag:s13] =	ssyncset.done $0x0;
	s21 =	sadd.s32 s30, s21  }
0xe1: {  	[sflag:s13] =	ssyncadd.s32 $0xFFFFF000;
	s21 =	sadd.s32 s9, s21  }
0xe2: {  	[hbm4b:s21+s24] =	stream.linear.scatter [tilespmem:s1], [sflag:$0x9], $0x1000, $0x38;
	[tilespmem:$0x15600] =	vst v63  }
0xe3: {  	_ =	swait.ge [sflag:s14], $0x1000  }
0xe4: {  	[sflag:s14] =	ssyncset.done $0x0  }
0xe5: {  	s25 =	sadd.s32 $0x4000, s31;
	[sflag:s14] =	ssyncadd.s32 $0xFFFFF000  }
0xe6: {  	[hbm4b:s25+s24] =	stream.linear.scatter [tilespmem:s4], [sflag:$0x9], $0x1000, $0x38;
	[tilespmem:$0x15600] =	vst v63  }
0xe7: {  	_ =	swait.ge [sflag:s15], $0x1000  }
0xe8: {  	[sflag:s15] =	ssyncset.done $0x0  }
0xe9: {  	s25 =	sadd.s32 $0x4000, s21;
	[sflag:s15] =	ssyncadd.s32 $0xFFFFF000  }
0xea: {  	[hbm4b:s25+s24] =	stream.linear.scatter [tilespmem:s5], [sflag:$0x9], $0x1000, $0x38;
	[tilespmem:$0x15600] =	vst v63  }
0xeb: {  	_ =	swait.ge [sflag:s28], $0x1000  }
0xec: {  	[sflag:s28] =	ssyncset.done $0x0  }
0xed: {  	s25 =	sadd.s32 $0x8000, s31;
	[sflag:s28] =	ssyncadd.s32 $0xFFFFF000  }
0xee: {  	[hbm4b:s25+s24] =	stream.linear.scatter [tilespmem:s10], [sflag:$0x9], $0x1000, $0x38;
	[tilespmem:$0x15600] =	vst v63  }
0xef: {  	_ =	swait.ge [sflag:s16], $0x1000  }
0xf0: {  	[sflag:s16] =	ssyncset.done $0x0  }
0xf1: {  	s25 =	sadd.s32 $0x8000, s21;
	[sflag:s16] =	ssyncadd.s32 $0xFFFFF000  }
0xf2: {  	[hbm4b:s25+s24] =	stream.linear.scatter [tilespmem:s11], [sflag:$0x9], $0x1000, $0x38;
	[tilespmem:$0x15600] =	vst v63  }
0xf3: {  	_ =	swait.ge [sflag:s19], $0x1000  }
0xf4: {  	[sflag:s19] =	ssyncset.done $0x0  }
0xf5: {  	s31 =	sadd.s32 $0xC000, s31;
	[sflag:s19] =	ssyncadd.s32 $0xFFFFF000  }
0xf6: {  	[hbm4b:s31+s24] =	stream.linear.scatter [tilespmem:s17], [sflag:$0x9], $0x1000, $0x38;
	[tilespmem:$0x15600] =	vst v63  }
0xf7: {  	_ =	swait.ge [sflag:s20], $0x1000  }
0xf8: {  	[sflag:s20] =	ssyncset.done $0x0  }
0xf9: {  	s21 =	sadd.s32 $0xC000, s21;
	[sflag:s20] =	ssyncadd.s32 $0xFFFFF000  }
0xfa: {  	[hbm4b:s21+s24] =	stream.linear.scatter [tilespmem:s18], [sflag:$0x9], $0x1000, $0x38;
	[tilespmem:$0x15600] =	vst v63  }
0xfb: {  	_ =	swait.ge [sflag:s29], $0x1000  }
0xfc: {  	[sflag:s29] =	ssyncset.done $0x0  }
0xfd: {  	[sflag:s29] =	ssyncadd.s32 $0xFFFFF000  }
0xfe: {  	_ =	swait.ge [sflag:s29], $0x1000  }
0xff: {  	[sflag:s29] =	ssyncset.done $0x0  }
0x100: {  	[sflag:s29] =	ssyncadd.s32 $0xFFFFF000  }
0x101: {  	_ =	swait.ge [sflag:s29], $0x1000  }
0x102: {  	[sflag:s29] =	ssyncset.done $0x0  }
0x103: {  	[sflag:s29] =	ssyncadd.s32 $0xFFFFF000  }
0x104: {  	_ =	swait.ge [sflag:s29], $0x1000  }
0x105: {  	[sflag:s29] =	ssyncset.done $0x0  }
0x106: {  	[sflag:s29] =	ssyncadd.s32 $0xFFFFF000  }
0x107: {  	_ =	swait.ge [sflag:s29], $0x1000  }
0x108: {  	[sflag:s29] =	ssyncset.done $0x0  }
0x109: {  	[sflag:s29] =	ssyncadd.s32 $0xFFFFF000  }
0x10a: {  	_ =	swait.ge [sflag:s29], $0x1000  }
0x10b: {  	[sflag:s29] =	ssyncset.done $0x0  }
0x10c: {  	p0 =	sne.s32 s23, $0x40000;
	[sflag:s29] =	ssyncadd.s32 $0xFFFFF000  }
.Ltmp0:
0x10d: {  	_ =	swait.ge [sflag:s29], $0x1000;
	(pc) =	sbr.rel @p0 .LBB2_2-.Ltmp0, $4  }
0x10e: {  	[sflag:s29] =	ssyncset.done $0x0  }
0x10f: {  	[sflag:s29] =	ssyncadd.s32 $0xFFFFF000  }
0x110: {  	_ =	swait.ge [sflag:s29], $0x1000  }
0x111: {  	s23 =	sadd.s32 $0x10000, s23;
	[sflag:s29] =	ssyncset.done $0x0  }
0x112: {  	[sflag:s29] =	ssyncadd.s32 $0xFFFFF000;
	s21 =	simm.s32 $0xE00  }
0x113: {  	[tilespmem:s2], [sflag:$0x1] =	stream.indirect.gather [hbm4b:s0+s26], $0x20, s21, s26, $0xb8;
	[tilespmem:$0x15600] =	vst v63  }
0x114: {  	s23 =	simm.s32 $0x7200  }
0x115: {  	[tilespmem:s1], [sflag:$0x2] =	stream.indirect.gather [hbm4b:s6+s26], $0x20, s23, s26, $0xb8;
	[tilespmem:$0x15600] =	vst v63  }
0x116: {  	s24 =	simm.s32 $0xE80  }
0x117: {  	[tilespmem:s4], [sflag:$0x3] =	stream.indirect.gather [hbm4b:s0+s26], $0x20, s24, s26, $0xb8;
	[tilespmem:$0x15600] =	vst v63  }
0x118: {  	s25 =	simm.s32 $0x7280  }
0x119: {  	[tilespmem:s5], [sflag:$0x4] =	stream.indirect.gather [hbm4b:s6+s26], $0x20, s25, s26, $0xb8;
	[tilespmem:$0x15600] =	vst v63  }
0x11a: {  	s31 =	simm.s32 $0xF00  }
0x11b: {  	[tilespmem:s10], [sflag:$0x5] =	stream.indirect.gather [hbm4b:s0+s26], $0x20, s31, s26, $0xb8;
	[tilespmem:$0x15600] =	vst v63  }
0x11c: {  	s22 =	simm.s32 $0x7300  }
0x11d: {  	[tilespmem:s11], [sflag:$0x6] =	stream.indirect.gather [hbm4b:s6+s26], $0x20, s22, s26, $0xb8;
	[tilespmem:$0x15600] =	vst v63  }
0x11e: {  	s23 =	simm.s32 $0xF80  }
0x11f: {  	[tilespmem:s17], [sflag:$0x7] =	stream.indirect.gather [hbm4b:s0+s26], $0x20, s23, s26, $0xb8;
	[tilespmem:$0x15600] =	vst v63  }
0x120: {  	s24 =	simm.s32 $0x7380  }
0x121: {  	[tilespmem:s18], [sflag:$0x8] =	stream.indirect.gather [hbm4b:s6+s26], $0x20, s24, s26, $0xb8;
	[tilespmem:$0x15600] =	vst v63  }
0x122: {  	_ =	swait.ge [sflag:s12], $0x1000  }
0x123: {  	s25 =	rddreg [dreg:$0x10]  }
0x124: {  	[sflag:s12] =	ssyncset.done $0x0;
	s21 =	sadd.s32 $0x0, s25  }
0x125: {  	[sflag:s12] =	ssyncadd.s32 $0xFFFFF000;
	s21 =	sadd.s32 s9, s21  }
0x126: {  	[hbm4b:s21+s3] =	stream.linear.scatter [tilespmem:s2], [sflag:$0x9], $0x1000, $0x38;
	[tilespmem:$0x15600] =	vst v63  }
0x127: {  	_ =	swait.ge [sflag:s13], $0x1000  }
0x128: {  	s22 =	rddreg [dreg:$0x11]  }
0x129: {  	[sflag:s13] =	ssyncset.done $0x0;
	s22 =	sadd.s32 $0x0, s22  }
0x12a: {  	[sflag:s13] =	ssyncadd.s32 $0xFFFFF000;
	s22 =	sadd.s32 s9, s22  }
0x12b: {  	[hbm4b:s22+s3] =	stream.linear.scatter [tilespmem:s1], [sflag:$0x9], $0x1000, $0x38;
	[tilespmem:$0x15600] =	vst v63  }
0x12c: {  	_ =	swait.ge [sflag:s14], $0x1000  }
0x12d: {  	[sflag:s14] =	ssyncset.done $0x0  }
0x12e: {  	s23 =	sadd.s32 $0x4000, s21;
	[sflag:s14] =	ssyncadd.s32 $0xFFFFF000  }
0x12f: {  	[hbm4b:s23+s3] =	stream.linear.scatter [tilespmem:s4], [sflag:$0x9], $0x1000, $0x38;
	[tilespmem:$0x15600] =	vst v63  }
0x130: {  	_ =	swait.ge [sflag:s15], $0x1000  }
0x131: {  	[sflag:s15] =	ssyncset.done $0x0  }
0x132: {  	s31 =	sadd.s32 $0x4000, s22;
	[sflag:s15] =	ssyncadd.s32 $0xFFFFF000  }
0x133: {  	[hbm4b:s31+s3] =	stream.linear.scatter [tilespmem:s5], [sflag:$0x9], $0x1000, $0x38;
	[tilespmem:$0x15600] =	vst v63  }
0x134: {  	_ =	swait.ge [sflag:s28], $0x1000  }
0x135: {  	[sflag:s28] =	ssyncset.done $0x0  }
0x136: {  	s24 =	sadd.s32 $0x8000, s21;
	[sflag:s28] =	ssyncadd.s32 $0xFFFFF000  }
0x137: {  	[hbm4b:s24+s3] =	stream.linear.scatter [tilespmem:s10], [sflag:$0x9], $0x1000, $0x38;
	[tilespmem:$0x15600] =	vst v63  }
0x138: {  	_ =	swait.ge [sflag:s16], $0x1000  }
0x139: {  	[sflag:s16] =	ssyncset.done $0x0  }
0x13a: {  	s25 =	sadd.s32 $0x8000, s22;
	[sflag:s16] =	ssyncadd.s32 $0xFFFFF000  }
0x13b: {  	[hbm4b:s25+s3] =	stream.linear.scatter [tilespmem:s11], [sflag:$0x9], $0x1000, $0x38;
	[tilespmem:$0x15600] =	vst v63  }
0x13c: {  	_ =	swait.ge [sflag:s19], $0x1000  }
0x13d: {  	[sflag:s19] =	ssyncset.done $0x0  }
0x13e: {  	s21 =	sadd.s32 $0xC000, s21;
	[sflag:s19] =	ssyncadd.s32 $0xFFFFF000  }
0x13f: {  	[hbm4b:s21+s3] =	stream.linear.scatter [tilespmem:s17], [sflag:$0x9], $0x1000, $0x38;
	[tilespmem:$0x15600] =	vst v63  }
0x140: {  	_ =	swait.ge [sflag:s20], $0x1000  }
0x141: {  	[sflag:s20] =	ssyncset.done $0x0  }
0x142: {  	s31 =	sadd.s32 $0xC000, s22;
	[sflag:s20] =	ssyncadd.s32 $0xFFFFF000  }
0x143: {  	[hbm4b:s31+s3] =	stream.linear.scatter [tilespmem:s18], [sflag:$0x9], $0x1000, $0x38;
	[tilespmem:$0x15600] =	vst v63  }
0x144: {  	_ =	swait.ge [sflag:s29], $0x1000  }
0x145: {  	[sflag:s29] =	ssyncset.done $0x0  }
0x146: {  	[sflag:s29] =	ssyncadd.s32 $0xFFFFF000  }
0x147: {  	_ =	swait.ge [sflag:s29], $0x1000  }
0x148: {  	[sflag:s29] =	ssyncset.done $0x0  }
0x149: {  	[sflag:s29] =	ssyncadd.s32 $0xFFFFF000  }
0x14a: {  	_ =	swait.ge [sflag:s29], $0x1000  }
0x14b: {  	[sflag:s29] =	ssyncset.done $0x0  }
0x14c: {  	[sflag:s29] =	ssyncadd.s32 $0xFFFFF000  }
0x14d: {  	_ =	swait.ge [sflag:s29], $0x1000  }
0x14e: {  	[sflag:s29] =	ssyncset.done $0x0  }
0x14f: {  	[sflag:s29] =	ssyncadd.s32 $0xFFFFF000  }
0x150: {  	_ =	swait.ge [sflag:s29], $0x1000  }
0x151: {  	[sflag:s29] =	ssyncset.done $0x0  }
0x152: {  	[sflag:s29] =	ssyncadd.s32 $0xFFFFF000  }
0x153: {  	_ =	swait.ge [sflag:s29], $0x1000  }
0x154: {  	[sflag:s29] =	ssyncset.done $0x0  }
0x155: {  	[sflag:s29] =	ssyncadd.s32 $0xFFFFF000  }
0x156: {  	_ =	swait.ge [sflag:s29], $0x1000  }
0x157: {  	[sflag:s29] =	ssyncset.done $0x0  }
0x158: {  	[sflag:s29] =	ssyncadd.s32 $0xFFFFF000  }
0x159: {  	s30 =	simm.s32 $0x200;
	s23 =	simm.s32 $0x20000;
	_ =	swait.ge [sflag:s29], $0x1000  }
0x15a: {  	s22 =	simm.s32 $0x10000;
	s24 =	simm.s32 $0x800;
	[sflag:s29] =	ssyncset.done $0x0  }
.LBB2_4:
0x15b: {  	s21 =	sadd.s32 $0xE00, s30;
	[sflag:s29] =	ssyncadd.s32 $0xFFFFF000  }
0x15c: {  	[tilespmem:s2], [sflag:$0x1] =	stream.indirect.gather [hbm4b:s0+s26], $0x20, s21, s26, $0xb8;
	[tilespmem:$0x15600] =	vst v63  }
0x15d: {  	s25 =	sadd.s32 $0x7200, s30  }
0x15e: {  	[tilespmem:s1], [sflag:$0x2] =	stream.indirect.gather [hbm4b:s6+s26], $0x20, s25, s26, $0xb8;
	[tilespmem:$0x15600] =	vst v63  }
0x15f: {  	s25 =	sadd.s32 $0xE80, s30  }
0x160: {  	[tilespmem:s4], [sflag:$0x3] =	stream.indirect.gather [hbm4b:s0+s26], $0x20, s25, s26, $0xb8;
	[tilespmem:$0x15600] =	vst v63  }
0x161: {  	s25 =	sadd.s32 $0x7280, s30  }
0x162: {  	[tilespmem:s5], [sflag:$0x4] =	stream.indirect.gather [hbm4b:s6+s26], $0x20, s25, s26, $0xb8;
	[tilespmem:$0x15600] =	vst v63  }
0x163: {  	s25 =	sadd.s32 $0xF00, s30  }
0x164: {  	[tilespmem:s10], [sflag:$0x5] =	stream.indirect.gather [hbm4b:s0+s26], $0x20, s25, s26, $0xb8;
	[tilespmem:$0x15600] =	vst v63  }
0x165: {  	s25 =	sadd.s32 $0x7300, s30  }
0x166: {  	[tilespmem:s11], [sflag:$0x6] =	stream.indirect.gather [hbm4b:s6+s26], $0x20, s25, s26, $0xb8;
	[tilespmem:$0x15600] =	vst v63  }
0x167: {  	s25 =	sadd.s32 $0xF80, s30  }
0x168: {  	[tilespmem:s17], [sflag:$0x7] =	stream.indirect.gather [hbm4b:s0+s26], $0x20, s25, s26, $0xb8;
	[tilespmem:$0x15600] =	vst v63  }
0x169: {  	s25 =	sadd.s32 $0x7380, s30  }
0x16a: {  	[tilespmem:s18], [sflag:$0x8] =	stream.indirect.gather [hbm4b:s6+s26], $0x20, s25, s26, $0xb8;
	[tilespmem:$0x15600] =	vst v63  }
0x16b: {  	_ =	swait.ge [sflag:s12], $0x1000  }
0x16c: {  	s25 =	rddreg [dreg:$0x10]  }
0x16d: {  	[sflag:s12] =	ssyncset.done $0x0;
	s21 =	sadd.s32 s22, s25  }
0x16e: {  	[sflag:s12] =	ssyncadd.s32 $0xFFFFF000;
	s21 =	sadd.s32 s9, s21  }
0x16f: {  	[hbm4b:s21+s3] =	stream.linear.scatter [tilespmem:s2], [sflag:$0x9], $0x1000, $0x38;
	[tilespmem:$0x15600] =	vst v63  }
0x170: {  	_ =	swait.ge [sflag:s13], $0x1000  }
0x171: {  	s30 =	rddreg [dreg:$0x11]  }
0x172: {  	[sflag:s13] =	ssyncset.done $0x0;
	s30 =	sadd.s32 s22, s30  }
0x173: {  	[sflag:s13] =	ssyncadd.s32 $0xFFFFF000;
	s30 =	sadd.s32 s9, s30  }
0x174: {  	[hbm4b:s30+s3] =	stream.linear.scatter [tilespmem:s1], [sflag:$0x9], $0x1000, $0x38;
	[tilespmem:$0x15600] =	vst v63  }
0x175: {  	_ =	swait.ge [sflag:s14], $0x1000  }
0x176: {  	[sflag:s14] =	ssyncset.done $0x0  }
0x177: {  	s25 =	sadd.s32 $0x4000, s21;
	[sflag:s14] =	ssyncadd.s32 $0xFFFFF000  }
0x178: {  	[hbm4b:s25+s3] =	stream.linear.scatter [tilespmem:s4], [sflag:$0x9], $0x1000, $0x38;
	[tilespmem:$0x15600] =	vst v63  }
0x179: {  	_ =	swait.ge [sflag:s15], $0x1000  }
0x17a: {  	[sflag:s15] =	ssyncset.done $0x0  }
0x17b: {  	s25 =	sadd.s32 $0x4000, s30;
	[sflag:s15] =	ssyncadd.s32 $0xFFFFF000  }
0x17c: {  	[hbm4b:s25+s3] =	stream.linear.scatter [tilespmem:s5], [sflag:$0x9], $0x1000, $0x38;
	[tilespmem:$0x15600] =	vst v63  }
0x17d: {  	_ =	swait.ge [sflag:s28], $0x1000  }
0x17e: {  	[sflag:s28] =	ssyncset.done $0x0  }
0x17f: {  	s25 =	sadd.s32 $0x8000, s21;
	[sflag:s28] =	ssyncadd.s32 $0xFFFFF000  }
0x180: {  	[hbm4b:s25+s3] =	stream.linear.scatter [tilespmem:s10], [sflag:$0x9], $0x1000, $0x38;
	[tilespmem:$0x15600] =	vst v63  }
0x181: {  	_ =	swait.ge [sflag:s16], $0x1000  }
0x182: {  	[sflag:s16] =	ssyncset.done $0x0  }
0x183: {  	s25 =	sadd.s32 $0x8000, s30;
	[sflag:s16] =	ssyncadd.s32 $0xFFFFF000  }
0x184: {  	[hbm4b:s25+s3] =	stream.linear.scatter [tilespmem:s11], [sflag:$0x9], $0x1000, $0x38;
	[tilespmem:$0x15600] =	vst v63  }
0x185: {  	_ =	swait.ge [sflag:s19], $0x1000  }
0x186: {  	[sflag:s19] =	ssyncset.done $0x0  }
0x187: {  	s21 =	sadd.s32 $0xC000, s21;
	[sflag:s19] =	ssyncadd.s32 $0xFFFFF000  }
0x188: {  	[hbm4b:s21+s3] =	stream.linear.scatter [tilespmem:s17], [sflag:$0x9], $0x1000, $0x38;
	[tilespmem:$0x15600] =	vst v63  }
0x189: {  	_ =	swait.ge [sflag:s20], $0x1000  }
0x18a: {  	s31 =	smov.u32 s23;
	[sflag:s20] =	ssyncset.done $0x0  }
0x18b: {  	s22 =	smov.u32 s31;
	s31 =	sadd.s32 $0xC000, s30;
	[sflag:s20] =	ssyncadd.s32 $0xFFFFF000  }
0x18c: {  	[hbm4b:s31+s3] =	stream.linear.scatter [tilespmem:s18], [sflag:$0x9], $0x1000, $0x38;
	[tilespmem:$0x15600] =	vst v63  }
0x18d: {  	_ =	swait.ge [sflag:s29], $0x1000  }
0x18e: {  	[sflag:s29] =	ssyncset.done $0x0  }
0x18f: {  	[sflag:s29] =	ssyncadd.s32 $0xFFFFF000  }
0x190: {  	_ =	swait.ge [sflag:s29], $0x1000  }
0x191: {  	[sflag:s29] =	ssyncset.done $0x0  }
0x192: {  	[sflag:s29] =	ssyncadd.s32 $0xFFFFF000  }
0x193: {  	_ =	swait.ge [sflag:s29], $0x1000  }
0x194: {  	[sflag:s29] =	ssyncset.done $0x0  }
0x195: {  	[sflag:s29] =	ssyncadd.s32 $0xFFFFF000  }
0x196: {  	_ =	swait.ge [sflag:s29], $0x1000  }
0x197: {  	[sflag:s29] =	ssyncset.done $0x0  }
0x198: {  	[sflag:s29] =	ssyncadd.s32 $0xFFFFF000  }
0x199: {  	_ =	swait.ge [sflag:s29], $0x1000  }
0x19a: {  	[sflag:s29] =	ssyncset.done $0x0  }
0x19b: {  	[sflag:s29] =	ssyncadd.s32 $0xFFFFF000  }
0x19c: {  	_ =	swait.ge [sflag:s29], $0x1000  }
0x19d: {  	[sflag:s29] =	ssyncset.done $0x0  }
0x19e: {  	p0 =	sne.s32 s23, $0x310000;
	[sflag:s29] =	ssyncadd.s32 $0xFFFFF000  }
.Ltmp1:
0x19f: {  	_ =	swait.ge [sflag:s29], $0x1000;
	(pc) =	sbr.rel @p0 .LBB2_4-.Ltmp1, $4  }
0x1a0: {  	[sflag:s29] =	ssyncset.done $0x0  }
0x1a1: {  	[sflag:s29] =	ssyncadd.s32 $0xFFFFF000  }
0x1a2: {  	s24 =	sadd.s32 $0x800, s24;
	_ =	swait.ge [sflag:s29], $0x1000  }
0x1a3: {  	s23 =	sadd.s32 $0x10000, s23;
	s30 =	sshra.s32 s24, $0x2;
	[sflag:s29] =	ssyncset.done $0x0  }
0x1a4: {  	s21 =	sadd.s32 $0xE00, s30;
	[sflag:s29] =	ssyncadd.s32 $0xFFFFF000  }
0x1a5: {  	[tilespmem:s2], [sflag:$0x1] =	stream.indirect.gather [hbm4b:s0+s26], $0x20, s21, s26, $0xb8;
	[tilespmem:$0x15600] =	vst v63  }
0x1a6: {  	s24 =	sadd.s32 $0x7200, s30  }
0x1a7: {  	[tilespmem:s1], [sflag:$0x2] =	stream.indirect.gather [hbm4b:s6+s26], $0x20, s24, s26, $0xb8;
	[tilespmem:$0x15600] =	vst v63  }
0x1a8: {  	s25 =	sadd.s32 $0xE80, s30  }
0x1a9: {  	[tilespmem:s4], [sflag:$0x3] =	stream.indirect.gather [hbm4b:s0+s26], $0x20, s25, s26, $0xb8;
	[tilespmem:$0x15600] =	vst v63  }
0x1aa: {  	s31 =	sadd.s32 $0x7280, s30  }
0x1ab: {  	[tilespmem:s5], [sflag:$0x4] =	stream.indirect.gather [hbm4b:s6+s26], $0x20, s31, s26, $0xb8;
	[tilespmem:$0x15600] =	vst v63  }
0x1ac: {  	s23 =	sadd.s32 $0xF00, s30  }
0x1ad: {  	[tilespmem:s10], [sflag:$0x5] =	stream.indirect.gather [hbm4b:s0+s26], $0x20, s23, s26, $0xb8;
	[tilespmem:$0x15600] =	vst v63  }
0x1ae: {  	s24 =	sadd.s32 $0x7300, s30  }
0x1af: {  	[tilespmem:s11], [sflag:$0x6] =	stream.indirect.gather [hbm4b:s6+s26], $0x20, s24, s26, $0xb8;
	[tilespmem:$0x15600] =	vst v63  }
0x1b0: {  	s25 =	sadd.s32 $0xF80, s30  }
0x1b1: {  	[tilespmem:s17], [sflag:$0x7] =	stream.indirect.gather [hbm4b:s0+s26], $0x20, s25, s26, $0xb8;
	[tilespmem:$0x15600] =	vst v63  }
0x1b2: {  	s31 =	sadd.s32 $0x7380, s30  }
0x1b3: {  	[tilespmem:s18], [sflag:$0x8] =	stream.indirect.gather [hbm4b:s6+s26], $0x20, s31, s26, $0xb8;
	[tilespmem:$0x15600] =	vst v63  }
0x1b4: {  	_ =	swait.ge [sflag:s12], $0x1000  }
0x1b5: {  	s23 =	rddreg [dreg:$0x10]  }
0x1b6: {  	[sflag:s12] =	ssyncset.done $0x0;
	s21 =	sadd.s32 s22, s23  }
0x1b7: {  	[sflag:s12] =	ssyncadd.s32 $0xFFFFF000;
	s21 =	sadd.s32 s9, s21  }
0x1b8: {  	[hbm4b:s21+s3] =	stream.linear.scatter [tilespmem:s2], [sflag:$0x9], $0x1000, $0x38;
	[tilespmem:$0x15600] =	vst v63  }
0x1b9: {  	_ =	swait.ge [sflag:s13], $0x1000  }
0x1ba: {  	s23 =	rddreg [dreg:$0x11]  }
0x1bb: {  	[sflag:s13] =	ssyncset.done $0x0;
	s24 =	sadd.s32 s22, s23  }
0x1bc: {  	[sflag:s13] =	ssyncadd.s32 $0xFFFFF000;
	s22 =	sadd.s32 s9, s24  }
0x1bd: {  	[hbm4b:s22+s3] =	stream.linear.scatter [tilespmem:s1], [sflag:$0x9], $0x1000, $0x38;
	[tilespmem:$0x15600] =	vst v63  }
0x1be: {  	_ =	swait.ge [sflag:s14], $0x1000  }
0x1bf: {  	[sflag:s14] =	ssyncset.done $0x0  }
0x1c0: {  	s25 =	sadd.s32 $0x4000, s21;
	[sflag:s14] =	ssyncadd.s32 $0xFFFFF000  }
0x1c1: {  	[hbm4b:s25+s3] =	stream.linear.scatter [tilespmem:s4], [sflag:$0x9], $0x1000, $0x38;
	[tilespmem:$0x15600] =	vst v63  }
0x1c2: {  	_ =	swait.ge [sflag:s15], $0x1000  }
0x1c3: {  	[sflag:s15] =	ssyncset.done $0x0  }
0x1c4: {  	s30 =	sadd.s32 $0x4000, s22;
	[sflag:s15] =	ssyncadd.s32 $0xFFFFF000  }
0x1c5: {  	[hbm4b:s30+s3] =	stream.linear.scatter [tilespmem:s5], [sflag:$0x9], $0x1000, $0x38;
	[tilespmem:$0x15600] =	vst v63  }
0x1c6: {  	_ =	swait.ge [sflag:s28], $0x1000  }
0x1c7: {  	[sflag:s28] =	ssyncset.done $0x0  }
0x1c8: {  	s31 =	sadd.s32 $0x8000, s21;
	[sflag:s28] =	ssyncadd.s32 $0xFFFFF000  }
0x1c9: {  	[hbm4b:s31+s3] =	stream.linear.scatter [tilespmem:s10], [sflag:$0x9], $0x1000, $0x38;
	[tilespmem:$0x15600] =	vst v63  }
0x1ca: {  	_ =	swait.ge [sflag:s16], $0x1000  }
0x1cb: {  	[sflag:s16] =	ssyncset.done $0x0  }
0x1cc: {  	s24 =	sadd.s32 $0x8000, s22;
	[sflag:s16] =	ssyncadd.s32 $0xFFFFF000  }
0x1cd: {  	[hbm4b:s24+s3] =	stream.linear.scatter [tilespmem:s11], [sflag:$0x9], $0x1000, $0x38;
	[tilespmem:$0x15600] =	vst v63  }
0x1ce: {  	_ =	swait.ge [sflag:s19], $0x1000  }
0x1cf: {  	[sflag:s19] =	ssyncset.done $0x0  }
0x1d0: {  	s21 =	sadd.s32 $0xC000, s21;
	[sflag:s19] =	ssyncadd.s32 $0xFFFFF000  }
0x1d1: {  	[hbm4b:s21+s3] =	stream.linear.scatter [tilespmem:s17], [sflag:$0x9], $0x1000, $0x38;
	[tilespmem:$0x15600] =	vst v63  }
0x1d2: {  	_ =	swait.ge [sflag:s20], $0x1000  }
0x1d3: {  	[sflag:s20] =	ssyncset.done $0x0  }
0x1d4: {  	s25 =	sadd.s32 $0xC000, s22;
	[sflag:s20] =	ssyncadd.s32 $0xFFFFF000  }
0x1d5: {  	[hbm4b:s25+s3] =	stream.linear.scatter [tilespmem:s18], [sflag:$0x9], $0x1000, $0x38;
	[tilespmem:$0x15600] =	vst v63  }
0x1d6: {  	_ =	swait.ge [sflag:s29], $0x1000  }
0x1d7: {  	[sflag:s29] =	ssyncset.done $0x0  }
0x1d8: {  	[sflag:s29] =	ssyncadd.s32 $0xFFFFF000  }
0x1d9: {  	_ =	swait.ge [sflag:s29], $0x1000  }
0x1da: {  	[sflag:s29] =	ssyncset.done $0x0  }
0x1db: {  	[sflag:s29] =	ssyncadd.s32 $0xFFFFF000  }
0x1dc: {  	_ =	swait.ge [sflag:s29], $0x1000  }
0x1dd: {  	[sflag:s29] =	ssyncset.done $0x0  }
0x1de: {  	[sflag:s29] =	ssyncadd.s32 $0xFFFFF000  }
0x1df: {  	_ =	swait.ge [sflag:s29], $0x1000  }
0x1e0: {  	[sflag:s29] =	ssyncset.done $0x0  }
0x1e1: {  	[sflag:s29] =	ssyncadd.s32 $0xFFFFF000  }
0x1e2: {  	_ =	swait.ge [sflag:s29], $0x1000  }
0x1e3: {  	[sflag:s29] =	ssyncset.done $0x0  }
0x1e4: {  	[sflag:s29] =	ssyncadd.s32 $0xFFFFF000  }
0x1e5: {  	_ =	swait.ge [sflag:s29], $0x1000  }
0x1e6: {  	[sflag:s29] =	ssyncset.done $0x0  }
0x1e7: {  	[sflag:s29] =	ssyncadd.s32 $0xFFFFF000  }
0x1e8: {  	_ =	swait.ge [sflag:s29], $0x1000  }
0x1e9: {  	[sflag:s29] =	ssyncset.done $0x0  }
0x1ea: {  	[sflag:s29] =	ssyncadd.s32 $0xFFFFF000  }
0x1eb: {  	_ =	swait.ge [sflag:s29], $0x1000  }
0x1ec: {  	s30 =	sld [smem:$0x7FA]  }
0x1ed: {  	s31 =	sld [smem:$0x7FD];
	_ =	sdelay $0x1  }
0x1ee: {  	s22 =	sadd.s32 $0x1, s30  }
0x1ef: {  	p0 =	sne.s32 s22, s31  }
.Ltmp2:
0x1f0: {  	_ = 	snop;
	(pc) =	sbr.rel @p0 .LBB2_1-.Ltmp2, $3  }
0x1f1: {  	_ =	sdelay $0x1  }
0x1f2: {  	[sflag:s29] =	ssyncset.done $0x0  }
0x1f3: {  	[sflag:s29] =	ssyncadd.s32 $0xFFFFF000  }
0x1f4: {  	_ =	sfence.sel $0x180000  }
0x1f5: {  	[bflag:$0x0] =	sbarrier.arrive $0xFFFF  }
0x1f6: {  	_ =	strace $0x90000047  }
0x1f7: {  	s0 =	stileid.u32;
	[bflag:$0x2] =	sbarrier.arrive $0xFFFF  }
0x1f8: {  	p0 =	sne.s32 s0, $0x0;
	s0 =	rddreg [dreg:$0xd]  }
0x1f9: {  	s0 =	sadd.s32 @!p0 $0x100000, s0  }
0x1fa: {  	[sflag:s0] =	ssyncadd.tile.s32 @!p0 $0x1;
	_ =	shalt  }
.Lfunc_end2:
_tile_overlayer_lowered:
.L_overlay_start_2:
0x1fb: {  	(tag) =	ssettag $0x2  }
0x1fc: {  	s0 =	rddreg [dreg:$0x0];
	s2 =	stileid.u32  }
0x1fd: {  	s1 =	rddreg [dreg:$0x1];
	p0 =	sne.s32 s2, $0x0  }
0x1fe: {  	s3 =	rddreg [dreg:$0x2];
	[bflag:$0x3] =	sbarrier.arrive $0xFFFF;
	s2 =	simm.s32 @!p0 $0x1C0A  }
0x1ff: {  	[timem:s3], [sflag:s2] =	dma.local @!p0 [hbm:s0], s1  }
0x200: {  	s0 =	simm.s32 @!p0 $0xA  }
0x201: {  	_ =	swait.ge @!p0 [sflag:s0], s1  }
0x202: {  	s1 =	ssub.s32 @!p0 $0x0, s1;
	[sflag:s0] =	ssyncset.done @!p0 $0x0  }
0x203: {  	[sflag:s0] =	ssyncadd.s32 @!p0 s1  }
0x204: {  	[bflag:$0x3] =	sbarrier.arrive $0xFFFF  }
0x205: {  	_ =	shalt  }

// kernel: sparse-core-data-format-call.cloned.1.call-start
scs
called_computation_lowered:
.L_overlay_start_0:
0x0: {  	s2 =	sld [smem:$0x3FD9]  }
0x1: {  	s3 =	sld [smem:$0x3FFE];
	_ =	sdelay $0x1  }
0x2: {  	s1 =	srdreg.scid  }
0x3: {  	s0 =	sand.u32 $0x1, s1  }
0x4: {  	s15 =	sshll.u32 s0, $0xA;
	s2 =	sadd.s32 s3, s2  }
0x5: {  	s2 =	sadd.s32 s2, s15  }
0x6: {  	[smem:$0x3FBA] =	sst s2  }
0x7: {  	_ = 	snop  }
0x8: {  	s2 =	sld [smem:$0x3FD0];
	_ =	sdelay $0x2  }
0x9: {  	s16 =	simm.s32 $0xA;
	s4 =	simm.s32 $0x10  }
0xa: {  	[smem:s4], [sflag:s16] =	dma.local [hbm:s2], $0x1  }
0xb: {  	_ =	swait.eq [sflag:s16], $0x1  }
0xc: {  	[sflag:s16] =	ssyncset.done $0x0  }
0xd: {  	[sflag:s16] =	ssyncadd.s32 $0xFFFFFFFF  }
0xe: {  	s17 =	sld [smem:$0x12];
	(tm) =	ssettm $0x1  }
0xf: {  	s18 =	sld [smem:$0x3FFB];
	_ =	sdelay $0x3  }
0x10: {  	_ =	strace s18  }
0x11: {  	s3 =	sld [smem:$0x3FFC];
	_ =	sdelay $0x3  }
0x12: {  	_ =	strace s3  }
0x13: {  	s3 =	sld [smem:$0x3FFD];
	_ =	sdelay $0x3  }
0x14: {  	_ =	strace s3  }
0x15: {  	_ =	strace $0x8FFFFFFF  }
0x16: {  	s19 =	sld [smem:$0x3FDB];
	_ =	sdelay $0x1  }
0x17: {  	s20 =	simm.s32 $_scs_section_size  }
0x18: {  	s5 =	simm.s32 $_size__tile_overlayer_lowered;
	s6 =	simm.s32 $_tile_overlayer_lowered  }
0x19: {  	s23 =	simm.s32 $0x1BFF;
	s22 =	sshll.u32 s6, $0x1;
	s3 =	sadd.s32 s20, s19  }
0x1a: {  	s7 =	simm.s32 $0x0;
	s21 =	sshll.u32 s5, $0x1;
	s5 =	sadd.s32 s22, s3  }
0x1b: {  	[timem:s7], [sflag:s23] =	dma.local [hbm:s5], s21  }
0x1c: {  	_ =	swait.ge [sflag:s23], s21  }
0x1d: {  	s4 =	ssub.s32 $0x0, s21;
	[sflag:s23] =	ssyncset.done $0x0  }
0x1e: {  	[sflag:s23] =	ssyncadd.s32 s4;
	_ =	sdelay $0x1  }
0x1f: {  	s24 =	simm.s32 $0x1B8B  }
0x20: {  	_ =	swait.ge [sflag:s24], $0x1  }
0x21: {  	[sflag:s24] =	ssyncset.done $0x0  }
0x22: {  	s26 =	simm.s32 $0x1B8E;
	s25 =	sld [smem:$0x3FFE];
	[sflag:s24] =	ssyncadd.s32 $0xFFFFFFFF  }
0x23: {  	s27 =	simm.s32 $execute0_lowered;
	[smem:$0x3FD2] =	sst s26  }
0x24: {  	s5 =	sshll.u32 s27, $0x1;
	_ =	strace $0x80000049;
	[dreg:$0x1] =	wrdreg $0xFFFFFFFF  }
0x25: {  	s28 =	simm.s32 $_size_execute0_lowered;
	s3 =	sadd.s32 s3, s5;
	[dreg:$0x0] =	wrdreg $0x0  }
0x26: {  	s5 =	sshll.u32 s28, $0x1;
	[dreg:$0x2] =	wrdreg s3  }
0x27: {  	[dreg:$0x3] =	wrdreg s5  }
0x28: {  	[dreg:$0x4] =	wrdreg $0xC0  }
0x29: {  	_ =	task [dreg:s7], $0x5FFFF  }
0x2a: {  	[dreg:$0x1] =	wrdreg $0xFFFFFFFF  }
0x2b: {  	[dreg:$0x0] =	wrdreg $0x60  }
0x2c: {  	[dreg:$0x2] =	wrdreg s25  }
0x2d: {  	[dreg:$0x3] =	wrdreg s17  }
0x2e: {  	[dreg:$0x4] =	wrdreg $0x9  }
0x2f: {  	_ =	task.clear_ibuf [dreg:s7], $0x5FFFF;
	_ =	strace $0x90000049  }
0x30: {  	s29 =	simm.s32 $0x9;
	_ =	strace $0x8000004B  }
0x31: {  	_ =	swait.ge [sflag:s29], $0x1  }
0x32: {  	[sflag:s29] =	ssyncadd.s32 $0xFFFFFFFF  }
0x33: {  	_ =	strace $0x9000004B  }
0x34: {  	_ =	sfence  }
0x35: {  	s30 =	sld [smem:$0x0];
	_ =	sdelay $0x2  }
0x36: {  	s31 =	sshll.u32 s1, $0xD;
	s1 =	sshrl.u32 s1, $0x2  }
0x37: {  	s3 =	sand.u32 $0x4000, s31;
	s1 =	sadd.s32 s1, s30  }
0x38: {  	s0 =	sor.u32 s3, s0;
	s1 =	sshll.u32 s1, $0x11  }
0x39: {  	s0 =	sor.u32 s1, s0  }
0x3a: {  	s0 =	sadd.s32 $0x8F2B, s0  }
0x3b: {  	[sflag:s0] =	ssyncadd.remote.s32 $0x1  }
0x3c: {  	_ =	sfence.sel $0xFFFF  }
0x3d: {  	[dreg:$0x0] =	wrdreg $0xFFFFFFFF;
	(pc) =	sbr.abs _section_cstart, $3  }
0x3e: {  	[dreg:$0x1] =	wrdreg $0xFFFFFFFF  }
0x3f: {  	_ =	task.clear_ibuf [dreg:s7], $0x2FFFF;
	_ =	strace $0x9FFFFFFF  }
0x40: {  	(tm) =	ssettm $0x7FFFFFFF  }
0x41: {  	_ =	shalt  }
tec
execute0_lowered:
.L_overlay_start_1:
0x0: {  	(tag) =	ssettag $0x1  }
0x1: {  	s0 =	srdreg.scid  }
0x2: {  	s1 =	sshll.u32 s0, $0x4  }
0x3: {  	s5 =	rddreg [dreg:$0x0];
	s0 =	stileid.u32;
	s1 =	sand.u32 $0x10, s1  }
0x4: {  	s3 =	rddreg [dreg:$0x1];
	s31 =	simm.s32 $0x2;
	s4 =	sor.u32 s0, s1  }
0x5: {  	s13 =	simm.s32 $0x0;
	s9 =	simm.s32 $0x400;
	s2 =	sshll.u32 s4, $0x7  }
0x6: {  	s10 =	simm.s32 $0x8000;
	s14 =	simm.s32 $0x0;
	s6 =	ssub.s32 $0x1000, s2  }
0x7: {  	s1 =	rddreg [dreg:$0x2];
	_ =	strace $0x8000004A;
	s7 =	sand.u32 $0xF80, s6  }
0x8: {  	s4 =	sshll.u32 s4, $0xB;
	p0 =	sne.s32 s7, $0x0;
	s7 =	simm.s32 $0x1  }
.Ltmp0:
0x9: {  	s6 =	sshrl.u32 s6, $0xC;
	s7 =	simm.s32 @!p0 $0x0;
	(pc) =	sbr.rel .LBB1_1-.Ltmp0, $4  }
0xa: {  	s8 =	sadd.s32 s4, s5;
	s4 =	simm.s32 $0x1;
	s30 =	sadd.s32 s7, s6  }
0xb: {  	s11 =	simm.s32 $0x0;
	[sflag:s4] =	ssyncpa.u1 $0x0;
	s5 =	smul.u32 $0x64, s30  }
0xc: {  	s12 =	simm.s32 $0x0;
	[sflag:s31] =	ssyncpa.u1 $0x0;
	p0 =	por $0x0, $0x0  }
0xd: {  	s6 =	sadd.s32 $0x1FC2000, s8;
	s7 =	sadd.s32 $0x1FD2000, s8;
	s8 =	sor.u32 $0x1, s5  }
.LBB1_7:
0xe: {  	s15 =	sadd.s32 $0x2, s11  }
0xf: {  	p2 =	sgt.s32 s15, $0xC7  }
0x10: {  	s15 =	simm.s32 @p2 $0x0;
	p2 =	sne.s32 s12, s8  }
.Ltmp1:
0x11: {  	p1 =	slt.u32 s12, $0x2;
	(pc) =	sbr.rel @!p2 .LBB1_8-.Ltmp1, $4  }
0x12: {  	s13 =	simm.s32 @!p1 $0x2  }
0x13: {  	s16 =	sadd.s32 $0x1, s12;
	s14 =	smov.u32 s11;
	_ =	swait.ge @!p1 [sflag:s13], $0x4000  }
0x14: {  	p0 =	por !p0, !p0;
	s12 =	smov.u32 s16;
	[sflag:s13] =	ssyncset.done @!p1 $0x0  }
0x15: {  	s11 =	smov.u32 s15;
	[sflag:s13] =	ssyncadd.s32 @!p1 $0xFFFFC000;
	s13 =	smov.u32 s2  }
.LBB1_1:
0x16: {  	p1 =	sge.u32 s12, s5  }
0x17: {  	s15 =	sxor.u32 @!p1 $0xFFFFFFFF, s12  }
0x18: {  	s16 =	sshll.u32 @!p1 s11, $0x10;
	s18 =	simm.s32 @!p1 $0x40;
	s15 =	sshll.u32 @!p1 s15, $0xE  }
0x19: {  	s19 =	simm.s32 @!p1 $0x80;
	s17 =	sadd.s32 @!p1 s16, s6;
	s15 =	sand.u32 @!p1 $0x4000, s15  }
0x1a: {  	[tilespmem:s15], [sflag:$0x1] =	stream.strided.gather @!p1 [hbm4b:s17+s18], $0x2000, s19, s18, $0x38;
	[tilespmem:$0x10100] =	vst v63  }
0x1b: {  	s31 =	sadd.s32 $0xFFFFFFFF, s12;
	s16 =	sadd.s32 @!p1 s16, s7;
	s15 =	sor.u32 @!p1 $0x2000, s15  }
0x1c: {  	[tilespmem:s15], [sflag:$0x1] =	stream.strided.gather @!p1 [hbm4b:s16+s18], $0x2000, s19, s18, $0x38;
	[tilespmem:$0x10100] =	vst v63  }
0x1d: {  	p1 =	sge.u32 s31, s5  }
.Ltmp2:
0x1e: {  	_ = 	snop;
	(pc) =	sbr.rel @p1 .LBB1_7-.Ltmp2, $1  }
0x1f: {  	_ =	sdelay $0x3  }
0x20: {  	s15 =	simm.s32 $0x1;
	s17 =	sand.u32 $0x1, s12  }
0x21: {  	_ =	swait.ge [sflag:s4], $0x4000;
	s15 =	simm.s32 @!p0 $0x0;
	s17 =	smul.u32 $0x10200, s17  }
0x22: {  	p2 =	por $0x1, $0x1;
	[sflag:s4] =	ssyncset.done $0x0;
	s16 =	smul.u32 $0x10200, s15  }
0x23: {  	s18 =	sshll.u32 s15, $0x10;
	[sflag:s4] =	ssyncadd.s32 $0xFFFFC000;
	s30 =	sshrl.u32 s17, $0x2  }
0x24: {  	s31 =	sshrl.u32 s18, $0x2;
	s18 =	simm.s32 $0x0;
	s16 =	sshrl.u32 s16, $0x2  }
0x25: {  	s15 =	sor.u32 $0x8000, s30;
	s17 =	sadd.s32 $0x20, s31;
	s16 =	sor.u32 $0x8000, s16  }
.LBB1_3:
0x26: {  	s19 =	sshll.u32 s18, $0xD  }
0x27: {  	s19 =	sand.u32 $0x3FFFE000, s19  }
0x28: {  	s21 =	sadd.s32 s19, s17  }
0x29: {  	s31 =	smul.u32 $0x8100, s18;
	v3 =	vld [tilespmem:s21+$0x10]  }
0x2a: {  	v1 =	vld [tilespmem:s21+$0xFFFFFFF0]  }
0x2b: {  	s18 =	sshra.s32 s31, $0x2;
	v0 =	vld [tilespmem:s21+$0x0]  }
0x2c: {  	s18 =	sadd.s32 s18, s16;
	v2 =	vld [tilespmem:s21+$0xFFFFFFE0]  }
0x2d: {  	s19 =	sadd.s32 $0x0, s18  }
0x2e: {  	p1 =	por p2, p2;
	s20 =	simm.s32 $0x4;
	s21 =	sadd.s32 $0x40, s21;
	[tilespmem:s19+$0x1830 ss:$0x81] =	vst.msk $0xffff, v3  }
.LBB1_4:
0x2f: {  	v3 =	vld [tilespmem:s21+$0x10];
	p2 =	sne.s32 s20, $0x1FC;
	[tilespmem:s19+$0x810 ss:$0x81] =	vst.msk $0xffff, v1;
	s22 =	smov.u32 s20;
	s20 =	sadd.s32 $0x4, s20  }
.Ltmp3:
0x30: {  	v1 =	vld [tilespmem:s21+$0xFFFFFFF0];
	[tilespmem:s19+$0x1020 ss:$0x81] =	vst.msk $0xffff, v0;
	(pc) =	sbr.rel @p2 .LBB1_4-.Ltmp3, $4  }
0x31: {  	v0 =	vld [tilespmem:s21+$0x0];
	[tilespmem:s19+$0x0 ss:$0x81] =	vst.msk $0xffff, v2  }
0x32: {  	s19 =	sshra.s32 s22, $0x2;
	v2 =	vld [tilespmem:s21+$0xFFFFFFE0]  }
0x33: {  	s19 =	sadd.s32 s19, s18  }
0x34: {  	s21 =	sadd.s32 $0x40, s21;
	[tilespmem:s19+$0x1830 ss:$0x81] =	vst.msk $0xffff, v3  }
.Ltmp4:
0x35: {  	(pc) =	sbr.rel @p1 .LBB1_3-.Ltmp4, $4  }
0x36: {  	_ = 	snop  }
0x37: {  	[tilespmem:s19+$0x810 ss:$0x81] =	vst.msk $0xffff, v1  }
0x38: {  	[tilespmem:s19+$0x1020 ss:$0x81] =	vst.msk $0xffff, v0  }
0x39: {  	s18 =	simm.s32 $0x1;
	p2 =	por $0x0, $0x0;
	[tilespmem:s19+$0x0 ss:$0x81] =	vst.msk $0xffff, v2  }
.Ltmp5:
0x3a: {  	(pc) =	sbr.rel .LBB1_7-.Ltmp5, $4  }
0x3b: {  	s14 =	sshll.u32 s14, $0xF  }
0x3c: {  	s14 =	sadd.s32 s3, s14  }
0x3d: {  	s13 =	sadd.s32 s13, s14  }
0x3e: {  	[hbm4b:s13+s9] =	stream.strided.scatter [tilespmem:s15], [sflag:$0x2], $0x4000, s10, s9, $0x20;
	[tilespmem:$0x10100] =	vst v63  }
.LBB1_8:
0x3f: {  	_ =	sfence.sel $0x180000  }
0x40: {  	s2 =	simm.s32 $0x1;
	[bflag:$0x0] =	sbarrier.arrive $0xFFFF  }
0x41: {  	s31 =	simm.s32 $0x2;
	[sflag:s2] =	ssyncpa.u1 $0x1  }
0x42: {  	[sflag:s31] =	ssyncpa.u1 $0x1  }
0x43: {  	p0 =	sne.s32 s0, $0x0;
	_ =	strace $0x9000004A  }
0x44: {  	s0 =	sadd.s32 @!p0 $0x100000, s1;
	[bflag:$0x2] =	sbarrier.arrive $0xFFFF  }
0x45: {  	[sflag:s0] =	ssyncadd.tile.s32 @!p0 $0x1;
	_ =	shalt  }
.Lfunc_end1:
_tile_overlayer_lowered:
.L_overlay_start_2:
0x46: {  	(tag) =	ssettag $0x2  }
0x47: {  	s0 =	rddreg [dreg:$0x0];
	s2 =	stileid.u32  }
0x48: {  	s1 =	rddreg [dreg:$0x1];
	p0 =	sne.s32 s2, $0x0  }
0x49: {  	s3 =	rddreg [dreg:$0x2];
	[bflag:$0x3] =	sbarrier.arrive $0xFFFF;
	s2 =	simm.s32 @!p0 $0x1C01  }
0x4a: {  	[timem:s3], [sflag:s2] =	dma.local @!p0 [hbm:s0], s1  }
0x4b: {  	s0 =	simm.s32 @!p0 $0x1  }
0x4c: {  	_ =	swait.ge @!p0 [sflag:s0], s1  }
0x4d: {  	s1 =	ssub.s32 @!p0 $0x0, s1;
	[sflag:s0] =	ssyncset.done @!p0 $0x0  }
0x4e: {  	[sflag:s0] =	ssyncadd.s32 @!p0 s1  }
0x4f: {  	[bflag:$0x3] =	sbarrier.arrive $0xFFFF  }
0x50: {  	_ =	shalt  }

</sc_bundles>
